<compile_context>
chip_gen: v7x
topology: tpu7x:2x2x1
jax: 0.10.2.dev20260603
libtpu: 0.0.44.dev20260713+nightly
codegen_flags: <defaults>
</compile_context>

<pallas_src>
import functools

import jax
import jax.numpy as jnp
import numpy as np
from jax import lax
from jax.experimental import pallas as pl
from jax.experimental.pallas import tpu as pltpu
from jax.experimental.pallas import tpu_sc as plsc

_B = 16384
_S = 26
_E = 16
_F = 4823
_FPAD = 4824
_NW = 32
_SLICES = (8192, 8192)
_CHUNK = 1664
_TC_BB = 2048


@functools.lru_cache(maxsize=None)
def _sc_gather_fn(bsl):
    mesh = plsc.VectorSubcoreMesh(core_axis_name="c", subcore_axis_name="s")
    npw = bsl * _S // _NW
    nch = npw // _CHUNK

    @functools.partial(
        pl.kernel,
        mesh=mesh,
        out_type=[
            jax.ShapeDtypeStruct((bsl * _S, _E), jnp.float32),
            jax.ShapeDtypeStruct((bsl * _S,), jnp.float32),
        ],
        scratch_types=[
            pltpu.VMEM((npw,), jnp.int32),
            [pltpu.VMEM((_CHUNK, _E), jnp.float32)] * nch,
            [pltpu.VMEM((_CHUNK,), jnp.float32)] * nch,
            pltpu.VMEM_SHARED((_FPAD, _E), jnp.float32),
            pltpu.VMEM_SHARED((_FPAD,), jnp.float32),
            [pltpu.SemaphoreType.DMA] * (4 * nch),
        ],
        compiler_params=pltpu.CompilerParams(use_tc_tiling_on_sc=False),
    )
    def k(idx_hbm, emb1_hbm, emb2_hbm, rows_out, vals1_out,
          idx_v, rows_v, vals_v, emb2_sp, emb1_sp, sems):
        wid = lax.axis_index("s") * 2 + lax.axis_index("c")
        base = wid * npw
        @pl.when(lax.axis_index("s") == 0)
        def _stage():
            pltpu.sync_copy(emb2_hbm, emb2_sp)
            pltpu.sync_copy(emb1_hbm, emb1_sp)

        pltpu.sync_copy(idx_hbm.at[pl.ds(base, npw)], idx_v)
        plsc.subcore_barrier()
        sgr = sems[0:nch]
        sgv = sems[nch:2 * nch]
        swr = sems[2 * nch:3 * nch]
        swv = sems[3 * nch:4 * nch]

        def idx_c(c):
            return idx_v.at[pl.ds(c * _CHUNK, _CHUNK)]

        def out_sl(c):
            return pl.ds(base + c * _CHUNK, _CHUNK)

        gr = [pltpu.async_copy(emb2_sp.at[idx_c(c)], rows_v[c], sgr[c])
              for c in range(nch)]
        gv = [pltpu.async_copy(emb1_sp.at[idx_c(c)], vals_v[c], sgv[c])
              for c in range(nch)]
        wr = [None] * nch
        wv = [None] * nch
        for c in range(nch):
            gr[c].wait()
            wr[c] = pltpu.async_copy(rows_v[c], rows_out.at[out_sl(c)],
                                     swr[c])
            gv[c].wait()
            wv[c] = pltpu.async_copy(vals_v[c], vals1_out.at[out_sl(c)],
                                     swv[c])
        for c in range(nch):
            wr[c].wait()
            wv[c].wait()

    return k


def _tc_body(e_ref, d_ref, e1_ref, fmw_ref, w1t_ref, w2t_ref, w3_ref,
             sel_ref, o_ref):
    e = e_ref[...]
    h1 = jnp.maximum(
        jnp.dot(e, w1t_ref[...], preferred_element_type=jnp.float32), 0.0)
    h2 = jnp.maximum(
        jnp.dot(h1, w2t_ref[...], preferred_element_type=jnp.float32), 0.0)
    y3 = jnp.sum(h2 * w3_ref[...], axis=1, keepdims=True)
    ssum = jnp.dot(e, sel_ref[...], preferred_element_type=jnp.float32)
    y2 = 0.5 * (jnp.sum(ssum * ssum, axis=1, keepdims=True)
                - jnp.sum(e * e, axis=1, keepdims=True))
    y1 = (jnp.sum(d_ref[...] * fmw_ref[...], axis=1, keepdims=True)
          + jnp.sum(e1_ref[...], axis=1, keepdims=True))
    z = y1 + y2 + y3
    o_ref[...] = 1.0 / (1.0 + jnp.exp(-z))


def _tc_mlp(e_flat, dense, e1, fm_w, w1t, w2t, w3, sel):
    nb = e_flat.shape[0]
    return pl.pallas_call(
        _tc_body,
        grid=(nb // _TC_BB,),
        in_specs=[
            pl.BlockSpec((_TC_BB, _S * _E), lambda i: (i, 0)),
            pl.BlockSpec((_TC_BB, 13), lambda i: (i, 0)),
            pl.BlockSpec((_TC_BB, _S), lambda i: (i, 0)),
            pl.BlockSpec((1, 13), lambda i: (0, 0)),
            pl.BlockSpec((_S * _E, 256), lambda i: (0, 0)),
            pl.BlockSpec((256, 256), lambda i: (0, 0)),
            pl.BlockSpec((1, 256), lambda i: (0, 0)),
            pl.BlockSpec((_S * _E, _E), lambda i: (0, 0)),
        ],
        out_specs=pl.BlockSpec((_TC_BB, 1), lambda i: (i, 0)),
        out_shape=jax.ShapeDtypeStruct((nb, 1), jnp.float32),
    )(e_flat, dense, e1, fm_w, w1t, w2t, w3, sel)


_SEL = np.tile(np.eye(_E, dtype=np.float32), (_S, 1))


def kernel(dense_input, sparse_input, emb1, emb2, fm_w, w1, w2, w3):
    emb1_flat = jnp.pad(emb1.reshape(_F), (0, _FPAD - _F))
    emb2_pad = jnp.pad(emb2, ((0, _FPAD - _F), (0, 0)))
    w1t = w1.T
    w2t = w2.T
    sel = jnp.asarray(_SEL)
    outs = []
    off = 0
    for bsl in _SLICES:
        idx_sl = lax.slice_in_dim(sparse_input, off,
                                  off + bsl).astype(jnp.int32).reshape(-1)
        rows, vals1 = _sc_gather_fn(bsl)(idx_sl, emb1_flat, emb2_pad)
        e_flat = rows.reshape(bsl, _S * _E)
        e1 = vals1.reshape(bsl, _S)
        d_sl = lax.slice_in_dim(dense_input, off, off + bsl)
        outs.append(_tc_mlp(e_flat, d_sl, e1, fm_w, w1t, w2t, w3, sel))
        off += bsl
    return jnp.concatenate(outs, axis=0)

# --- scband reference (transcript-rebuilt; emitter-appended) ---
"""Pipeline reference for scband-dfm-criteo-70935679861554 (READ-ONLY COPY).

The authoritative reference and input builder live on the scoring server;
editing this copy changes nothing except your own understanding.
"""

import jax, jax.numpy as jnp
import numpy as np

FEATURE_DIM = 4823
EMB = 16
B = 16384

def setup_inputs(seed: int = 0):
    key = jax.random.key(seed)
    ks = jax.random.split(key, 8)
    dense_input = jax.random.normal(ks[0], (B, 13), dtype=jnp.float32)
    sparse_input = jax.random.randint(ks[1], (B, 26), 0, FEATURE_DIM, dtype=jnp.int64 if jax.config.jax_enable_x64 else jnp.int32)
    emb1 = jax.random.normal(ks[2], (FEATURE_DIM, 1), dtype=jnp.float32) * 0.1
    emb2 = jax.random.normal(ks[3], (FEATURE_DIM, EMB), dtype=jnp.float32) * 0.1
    fm_w = jax.random.normal(ks[4], (1, 13), dtype=jnp.float32) * 0.1
    w1 = jax.random.normal(ks[5], (256, 26 * EMB), dtype=jnp.float32) * 0.05
    w2 = jax.random.normal(ks[6], (256, 256), dtype=jnp.float32) * 0.05
    w3 = jax.random.normal(ks[7], (1, 256), dtype=jnp.float32) * 0.05
    return {"dense_input": dense_input, "sparse_input": sparse_input, "emb1": emb1, "emb2": emb2, "fm_w": fm_w, "w1": w1, "w2": w2, "w3": w3}

def reference(dense_input, sparse_input, emb1, emb2, fm_w, w1, w2, w3):
    # first-order FM part
    sparse_1dim = jnp.take(emb1, sparse_input, axis=0)          # [B, 26, 1]
    fm_dense_part = dense_input @ fm_w.T                          # [B, 1]
    fm_sparse_part = jnp.sum(sparse_1dim, axis=1)                 # [B, 1]
    y1 = fm_dense_part + fm_sparse_part
    # second-order FM part
    sparse_2dim = jnp.take(emb2, sparse_input, axis=0)            # [B, 26, EMB]
    sparse_2dim_sum = jnp.sum(sparse_2dim, axis=1)                # [B, EMB]
    sparse_2dim_sum_square = jnp.square(sparse_2dim_sum)
    sparse_2dim_square = jnp.square(sparse_2dim)
    sparse_2dim_square_sum = jnp.sum(sparse_2dim_square, axis=1)
    sparse_2dim_x = sparse_2dim_sum_square + (-1.0) * sparse_2dim_square_sum
    sparse_2dim_half = sparse_2dim_x * 0.5
    y2 = jnp.sum(sparse_2dim_half, axis=1, keepdims=True)        # [B, 1]
    # deep part
    flatten = jnp.reshape(sparse_2dim, (-1, 26 * EMB))
    h = jax.nn.relu(flatten @ w1.T)
    h = jax.nn.relu(h @ w2.T)
    y3 = h @ w3.T                                                 # [B, 1]
    y4 = y1 + y2
    y = y4 + y3
    return jax.nn.sigmoid(y)

if __name__ == "__main__":
    import jax
    _d = setup_inputs()
    print(jax.jit(kernel)(*tuple(_d.values())))

</pallas_src>

<mosaic_0001>
#map = affine_map<(d0, d1) -> (0)>
#map1 = affine_map<(d0, d1) -> (0, 0)>
module attributes {stable_mosaic.version = 14 : i64} {
  func.func @k(%arg0: i32, %arg1: i32, %arg2: memref<212992xi32, #tpu.memory_space<hbm>>, %arg3: memref<4824xf32, #tpu.memory_space<hbm>>, %arg4: memref<4824x16xf32, #tpu.memory_space<hbm>>, %arg5: memref<212992x16xf32, #tpu.memory_space<hbm>>, %arg6: memref<212992xf32, #tpu.memory_space<hbm>>, %arg7: memref<6656xi32, #tpu.memory_space<vmem>>, %arg8: memref<1664x16xf32, #tpu.memory_space<vmem>>, %arg9: memref<1664x16xf32, #tpu.memory_space<vmem>>, %arg10: memref<1664x16xf32, #tpu.memory_space<vmem>>, %arg11: memref<1664x16xf32, #tpu.memory_space<vmem>>, %arg12: memref<1664xf32, #tpu.memory_space<vmem>>, %arg13: memref<1664xf32, #tpu.memory_space<vmem>>, %arg14: memref<1664xf32, #tpu.memory_space<vmem>>, %arg15: memref<1664xf32, #tpu.memory_space<vmem>>, %arg16: memref<4824x16xf32, #tpu.memory_space<vmem_shared>>, %arg17: memref<4824xf32, #tpu.memory_space<vmem_shared>>, %arg18: memref<!tpu.dma_semaphore, #tpu.memory_space<semaphore_mem>>, %arg19: memref<!tpu.dma_semaphore, #tpu.memory_space<semaphore_mem>>, %arg20: memref<!tpu.dma_semaphore, #tpu.memory_space<semaphore_mem>>, %arg21: memref<!tpu.dma_semaphore, #tpu.memory_space<semaphore_mem>>, %arg22: memref<!tpu.dma_semaphore, #tpu.memory_space<semaphore_mem>>, %arg23: memref<!tpu.dma_semaphore, #tpu.memory_space<semaphore_mem>>, %arg24: memref<!tpu.dma_semaphore, #tpu.memory_space<semaphore_mem>>, %arg25: memref<!tpu.dma_semaphore, #tpu.memory_space<semaphore_mem>>, %arg26: memref<!tpu.dma_semaphore, #tpu.memory_space<semaphore_mem>>, %arg27: memref<!tpu.dma_semaphore, #tpu.memory_space<semaphore_mem>>, %arg28: memref<!tpu.dma_semaphore, #tpu.memory_space<semaphore_mem>>, %arg29: memref<!tpu.dma_semaphore, #tpu.memory_space<semaphore_mem>>, %arg30: memref<!tpu.dma_semaphore, #tpu.memory_space<semaphore_mem>>, %arg31: memref<!tpu.dma_semaphore, #tpu.memory_space<semaphore_mem>>, %arg32: memref<!tpu.dma_semaphore, #tpu.memory_space<semaphore_mem>>, %arg33: memref<!tpu.dma_semaphore, #tpu.memory_space<semaphore_mem>>) attributes {dimension_semantics = [#tpu.dimension_semantics<core_parallel>, #tpu.dimension_semantics<subcore_parallel>], iteration_bounds = array<i64: 2, 16>, scalar_prefetch = 0 : i64, scratch_operands = 27 : i64, tpu.core_type = #tpu.core_type<sc_vector_subcore>, window_params = [{transform_indices = #map}, {transform_indices = #map}, {transform_indices = #map1}, {transform_indices = #map1}, {transform_indices = #map}]} {
    %mul3A = arith.constant 2 : i32
    %mul3A_0 = arith.muli %arg1, %mul3A : i32
    %add3A = arith.addi %mul3A_0, %arg0 : i32
    %mul3A_1 = arith.constant 6656 : i32
    %mul3A_2 = arith.muli %add3A, %mul3A_1 : i32
    %eq3A = arith.constant 0 : i32
    %eq3A_3 = arith.cmpi eq, %arg1, %eq3A : i32
    %convert_element_type3A = arith.extui %eq3A_3 : i1 to i32
    %cond3A = arith.constant 0 : i32
    %cond3A_4 = arith.cmpi ne, %convert_element_type3A, %cond3A : i32
    scf.if %cond3A_4 {
      "tpu.region"() ({
        %run_scoped3A = tpu.sem_alloc : memref<!tpu.dma_semaphore, #tpu.memory_space<semaphore_mem>>
        tpu.enqueue_dma source(%arg4 : memref<4824x16xf32, #tpu.memory_space<hbm>>) target(%arg16 : memref<4824x16xf32, #tpu.memory_space<vmem_shared>>) target_semaphore(%run_scoped3A : memref<!tpu.dma_semaphore, #tpu.memory_space<semaphore_mem>>)
        tpu.wait_dma2 semaphore(%run_scoped3A : memref<!tpu.dma_semaphore, #tpu.memory_space<semaphore_mem>>) src(%arg4 : memref<4824x16xf32, #tpu.memory_space<hbm>>) dst(%arg16 : memref<4824x16xf32, #tpu.memory_space<vmem_shared>>)
        tpu.yield
      }) : () -> ()
      "tpu.region"() ({
        %run_scoped3A = tpu.sem_alloc : memref<!tpu.dma_semaphore, #tpu.memory_space<semaphore_mem>>
        tpu.enqueue_dma source(%arg3 : memref<4824xf32, #tpu.memory_space<hbm>>) target(%arg17 : memref<4824xf32, #tpu.memory_space<vmem_shared>>) target_semaphore(%run_scoped3A : memref<!tpu.dma_semaphore, #tpu.memory_space<semaphore_mem>>)
        tpu.wait_dma2 semaphore(%run_scoped3A : memref<!tpu.dma_semaphore, #tpu.memory_space<semaphore_mem>>) src(%arg3 : memref<4824xf32, #tpu.memory_space<hbm>>) dst(%arg17 : memref<4824xf32, #tpu.memory_space<vmem_shared>>)
        tpu.yield
      }) : () -> ()
    } else {
    }
    "tpu.region"() ({
      %run_scoped3A = tpu.sem_alloc : memref<!tpu.dma_semaphore, #tpu.memory_space<semaphore_mem>>
      %dma_start3A_139 = tpu.memref_slice %arg2[%mul3A_2] : memref<212992xi32, #tpu.memory_space<hbm>> -> memref<6656xi32, #tpu.memory_space<hbm>>
      %dma_start3A_140 = tpu.memref_slice %arg2[%mul3A_2] : memref<212992xi32, #tpu.memory_space<hbm>> -> memref<6656xi32, #tpu.memory_space<hbm>>
      tpu.enqueue_dma source(%dma_start3A_140 : memref<6656xi32, #tpu.memory_space<hbm>>) target(%arg7 : memref<6656xi32, #tpu.memory_space<vmem>>) target_semaphore(%run_scoped3A : memref<!tpu.dma_semaphore, #tpu.memory_space<semaphore_mem>>)
      %dma_wait3A_141 = tpu.memref_slice %arg2[%mul3A_2] : memref<212992xi32, #tpu.memory_space<hbm>> -> memref<6656xi32, #tpu.memory_space<hbm>>
      %dma_wait3A_142 = tpu.memref_slice %arg2[%mul3A_2] : memref<212992xi32, #tpu.memory_space<hbm>> -> memref<6656xi32, #tpu.memory_space<hbm>>
      tpu.wait_dma2 semaphore(%run_scoped3A : memref<!tpu.dma_semaphore, #tpu.memory_space<semaphore_mem>>) src(%dma_wait3A_142 : memref<6656xi32, #tpu.memory_space<hbm>>) dst(%arg7 : memref<6656xi32, #tpu.memory_space<vmem>>)
      tpu.yield
    }) : () -> ()
    %barrier3A = arith.constant 0 : index
    tpu.barrier barrier_id(%barrier3A)
    %dma_start3A = arith.constant 0 : i32
    %dma_start3A_5 = tpu.memref_slice %arg7[%dma_start3A] : memref<6656xi32, #tpu.memory_space<vmem>> -> memref<1664xi32, #tpu.memory_space<vmem>>
    %dma_start3A_6 = arith.constant 0 : i32
    %dma_start3A_7 = arith.constant 0 : i32
    %dma_start3A_8 = tpu.memref_slice %arg16[%dma_start3A_6, %dma_start3A_7] : memref<4824x16xf32, #tpu.memory_space<vmem_shared>> -> memref<4824x16xf32, #tpu.memory_space<vmem_shared>>
    tpu.enqueue_indirect_dma source(%dma_start3A_8 : memref<4824x16xf32, #tpu.memory_space<vmem_shared>>) target(%arg8 : memref<1664x16xf32, #tpu.memory_space<vmem>>) offsets(%dma_start3A_5 : memref<1664xi32, #tpu.memory_space<vmem>>) semaphore(%arg18 : memref<!tpu.dma_semaphore, #tpu.memory_space<semaphore_mem>>)
    %dma_start3A_9 = arith.constant 1664 : i32
    %dma_start3A_10 = tpu.memref_slice %arg7[%dma_start3A_9] : memref<6656xi32, #tpu.memory_space<vmem>> -> memref<1664xi32, #tpu.memory_space<vmem>>
    %dma_start3A_11 = arith.constant 0 : i32
    %dma_start3A_12 = arith.constant 0 : i32
    %dma_start3A_13 = tpu.memref_slice %arg16[%dma_start3A_11, %dma_start3A_12] : memref<4824x16xf32, #tpu.memory_space<vmem_shared>> -> memref<4824x16xf32, #tpu.memory_space<vmem_shared>>
    tpu.enqueue_indirect_dma source(%dma_start3A_13 : memref<4824x16xf32, #tpu.memory_space<vmem_shared>>) target(%arg9 : memref<1664x16xf32, #tpu.memory_space<vmem>>) offsets(%dma_start3A_10 : memref<1664xi32, #tpu.memory_space<vmem>>) semaphore(%arg19 : memref<!tpu.dma_semaphore, #tpu.memory_space<semaphore_mem>>)
    %dma_start3A_14 = arith.constant 3328 : i32
    %dma_start3A_15 = tpu.memref_slice %arg7[%dma_start3A_14] : memref<6656xi32, #tpu.memory_space<vmem>> -> memref<1664xi32, #tpu.memory_space<vmem>>
    %dma_start3A_16 = arith.constant 0 : i32
    %dma_start3A_17 = arith.constant 0 : i32
    %dma_start3A_18 = tpu.memref_slice %arg16[%dma_start3A_16, %dma_start3A_17] : memref<4824x16xf32, #tpu.memory_space<vmem_shared>> -> memref<4824x16xf32, #tpu.memory_space<vmem_shared>>
    tpu.enqueue_indirect_dma source(%dma_start3A_18 : memref<4824x16xf32, #tpu.memory_space<vmem_shared>>) target(%arg10 : memref<1664x16xf32, #tpu.memory_space<vmem>>) offsets(%dma_start3A_15 : memref<1664xi32, #tpu.memory_space<vmem>>) semaphore(%arg20 : memref<!tpu.dma_semaphore, #tpu.memory_space<semaphore_mem>>)
    %dma_start3A_19 = arith.constant 4992 : i32
    %dma_start3A_20 = tpu.memref_slice %arg7[%dma_start3A_19] : memref<6656xi32, #tpu.memory_space<vmem>> -> memref<1664xi32, #tpu.memory_space<vmem>>
    %dma_start3A_21 = arith.constant 0 : i32
    %dma_start3A_22 = arith.constant 0 : i32
    %dma_start3A_23 = tpu.memref_slice %arg16[%dma_start3A_21, %dma_start3A_22] : memref<4824x16xf32, #tpu.memory_space<vmem_shared>> -> memref<4824x16xf32, #tpu.memory_space<vmem_shared>>
    tpu.enqueue_indirect_dma source(%dma_start3A_23 : memref<4824x16xf32, #tpu.memory_space<vmem_shared>>) target(%arg11 : memref<1664x16xf32, #tpu.memory_space<vmem>>) offsets(%dma_start3A_20 : memref<1664xi32, #tpu.memory_space<vmem>>) semaphore(%arg21 : memref<!tpu.dma_semaphore, #tpu.memory_space<semaphore_mem>>)
    %dma_start3A_24 = arith.constant 0 : i32
    %dma_start3A_25 = tpu.memref_slice %arg7[%dma_start3A_24] : memref<6656xi32, #tpu.memory_space<vmem>> -> memref<1664xi32, #tpu.memory_space<vmem>>
    %dma_start3A_26 = arith.constant 0 : i32
    %dma_start3A_27 = tpu.memref_slice %arg17[%dma_start3A_26] : memref<4824xf32, #tpu.memory_space<vmem_shared>> -> memref<4824xf32, #tpu.memory_space<vmem_shared>>
    tpu.enqueue_indirect_dma source(%dma_start3A_27 : memref<4824xf32, #tpu.memory_space<vmem_shared>>) target(%arg12 : memref<1664xf32, #tpu.memory_space<vmem>>) offsets(%dma_start3A_25 : memref<1664xi32, #tpu.memory_space<vmem>>) semaphore(%arg22 : memref<!tpu.dma_semaphore, #tpu.memory_space<semaphore_mem>>)
    %dma_start3A_28 = arith.constant 1664 : i32
    %dma_start3A_29 = tpu.memref_slice %arg7[%dma_start3A_28] : memref<6656xi32, #tpu.memory_space<vmem>> -> memref<1664xi32, #tpu.memory_space<vmem>>
    %dma_start3A_30 = arith.constant 0 : i32
    %dma_start3A_31 = tpu.memref_slice %arg17[%dma_start3A_30] : memref<4824xf32, #tpu.memory_space<vmem_shared>> -> memref<4824xf32, #tpu.memory_space<vmem_shared>>
    tpu.enqueue_indirect_dma source(%dma_start3A_31 : memref<4824xf32, #tpu.memory_space<vmem_shared>>) target(%arg13 : memref<1664xf32, #tpu.memory_space<vmem>>) offsets(%dma_start3A_29 : memref<1664xi32, #tpu.memory_space<vmem>>) semaphore(%arg23 : memref<!tpu.dma_semaphore, #tpu.memory_space<semaphore_mem>>)
    %dma_start3A_32 = arith.constant 3328 : i32
    %dma_start3A_33 = tpu.memref_slice %arg7[%dma_start3A_32] : memref<6656xi32, #tpu.memory_space<vmem>> -> memref<1664xi32, #tpu.memory_space<vmem>>
    %dma_start3A_34 = arith.constant 0 : i32
    %dma_start3A_35 = tpu.memref_slice %arg17[%dma_start3A_34] : memref<4824xf32, #tpu.memory_space<vmem_shared>> -> memref<4824xf32, #tpu.memory_space<vmem_shared>>
    tpu.enqueue_indirect_dma source(%dma_start3A_35 : memref<4824xf32, #tpu.memory_space<vmem_shared>>) target(%arg14 : memref<1664xf32, #tpu.memory_space<vmem>>) offsets(%dma_start3A_33 : memref<1664xi32, #tpu.memory_space<vmem>>) semaphore(%arg24 : memref<!tpu.dma_semaphore, #tpu.memory_space<semaphore_mem>>)
    %dma_start3A_36 = arith.constant 4992 : i32
    %dma_start3A_37 = tpu.memref_slice %arg7[%dma_start3A_36] : memref<6656xi32, #tpu.memory_space<vmem>> -> memref<1664xi32, #tpu.memory_space<vmem>>
    %dma_start3A_38 = arith.constant 0 : i32
    %dma_start3A_39 = tpu.memref_slice %arg17[%dma_start3A_38] : memref<4824xf32, #tpu.memory_space<vmem_shared>> -> memref<4824xf32, #tpu.memory_space<vmem_shared>>
    tpu.enqueue_indirect_dma source(%dma_start3A_39 : memref<4824xf32, #tpu.memory_space<vmem_shared>>) target(%arg15 : memref<1664xf32, #tpu.memory_space<vmem>>) offsets(%dma_start3A_37 : memref<1664xi32, #tpu.memory_space<vmem>>) semaphore(%arg25 : memref<!tpu.dma_semaphore, #tpu.memory_space<semaphore_mem>>)
    %dma_wait3A = arith.constant 0 : i32
    %dma_wait3A_40 = tpu.memref_slice %arg7[%dma_wait3A] : memref<6656xi32, #tpu.memory_space<vmem>> -> memref<1664xi32, #tpu.memory_space<vmem>>
    %dma_wait3A_41 = arith.constant 0 : i32
    %dma_wait3A_42 = arith.constant 0 : i32
    %dma_wait3A_43 = tpu.memref_slice %arg16[%dma_wait3A_41, %dma_wait3A_42] : memref<4824x16xf32, #tpu.memory_space<vmem_shared>> -> memref<4824x16xf32, #tpu.memory_space<vmem_shared>>
    tpu.wait_indirect_dma semaphore(%arg18 : memref<!tpu.dma_semaphore, #tpu.memory_space<semaphore_mem>>) src(%dma_wait3A_43 : memref<4824x16xf32, #tpu.memory_space<vmem_shared>>) dst(%arg8 : memref<1664x16xf32, #tpu.memory_space<vmem>>)
    %add3A_44 = arith.constant 0 : i32
    %add3A_45 = arith.addi %mul3A_2, %add3A_44 : i32
    %dma_start3A_46 = arith.constant 0 : i32
    %dma_start3A_47 = tpu.memref_slice %arg5[%add3A_45, %dma_start3A_46] : memref<212992x16xf32, #tpu.memory_space<hbm>> -> memref<1664x16xf32, #tpu.memory_space<hbm>>
    %dma_start3A_48 = arith.constant 0 : i32
    %dma_start3A_49 = tpu.memref_slice %arg5[%add3A_45, %dma_start3A_48] : memref<212992x16xf32, #tpu.memory_space<hbm>> -> memref<1664x16xf32, #tpu.memory_space<hbm>>
    tpu.enqueue_dma source(%arg8 : memref<1664x16xf32, #tpu.memory_space<vmem>>) target(%dma_start3A_49 : memref<1664x16xf32, #tpu.memory_space<hbm>>) target_semaphore(%arg26 : memref<!tpu.dma_semaphore, #tpu.memory_space<semaphore_mem>>)
    %dma_wait3A_50 = arith.constant 0 : i32
    %dma_wait3A_51 = tpu.memref_slice %arg7[%dma_wait3A_50] : memref<6656xi32, #tpu.memory_space<vmem>> -> memref<1664xi32, #tpu.memory_space<vmem>>
    %dma_wait3A_52 = arith.constant 0 : i32
    %dma_wait3A_53 = tpu.memref_slice %arg17[%dma_wait3A_52] : memref<4824xf32, #tpu.memory_space<vmem_shared>> -> memref<4824xf32, #tpu.memory_space<vmem_shared>>
    tpu.wait_indirect_dma semaphore(%arg22 : memref<!tpu.dma_semaphore, #tpu.memory_space<semaphore_mem>>) src(%dma_wait3A_53 : memref<4824xf32, #tpu.memory_space<vmem_shared>>) dst(%arg12 : memref<1664xf32, #tpu.memory_space<vmem>>)
    %add3A_54 = arith.constant 0 : i32
    %add3A_55 = arith.addi %mul3A_2, %add3A_54 : i32
    %dma_start3A_56 = tpu.memref_slice %arg6[%add3A_55] : memref<212992xf32, #tpu.memory_space<hbm>> -> memref<1664xf32, #tpu.memory_space<hbm>>
    %dma_start3A_57 = tpu.memref_slice %arg6[%add3A_55] : memref<212992xf32, #tpu.memory_space<hbm>> -> memref<1664xf32, #tpu.memory_space<hbm>>
    tpu.enqueue_dma source(%arg12 : memref<1664xf32, #tpu.memory_space<vmem>>) target(%dma_start3A_57 : memref<1664xf32, #tpu.memory_space<hbm>>) target_semaphore(%arg30 : memref<!tpu.dma_semaphore, #tpu.memory_space<semaphore_mem>>)
    %dma_wait3A_58 = arith.constant 1664 : i32
    %dma_wait3A_59 = tpu.memref_slice %arg7[%dma_wait3A_58] : memref<6656xi32, #tpu.memory_space<vmem>> -> memref<1664xi32, #tpu.memory_space<vmem>>
    %dma_wait3A_60 = arith.constant 0 : i32
    %dma_wait3A_61 = arith.constant 0 : i32
    %dma_wait3A_62 = tpu.memref_slice %arg16[%dma_wait3A_60, %dma_wait3A_61] : memref<4824x16xf32, #tpu.memory_space<vmem_shared>> -> memref<4824x16xf32, #tpu.memory_space<vmem_shared>>
    tpu.wait_indirect_dma semaphore(%arg19 : memref<!tpu.dma_semaphore, #tpu.memory_space<semaphore_mem>>) src(%dma_wait3A_62 : memref<4824x16xf32, #tpu.memory_space<vmem_shared>>) dst(%arg9 : memref<1664x16xf32, #tpu.memory_space<vmem>>)
    %add3A_63 = arith.constant 1664 : i32
    %add3A_64 = arith.addi %mul3A_2, %add3A_63 : i32
    %dma_start3A_65 = arith.constant 0 : i32
    %dma_start3A_66 = tpu.memref_slice %arg5[%add3A_64, %dma_start3A_65] : memref<212992x16xf32, #tpu.memory_space<hbm>> -> memref<1664x16xf32, #tpu.memory_space<hbm>>
    %dma_start3A_67 = arith.constant 0 : i32
    %dma_start3A_68 = tpu.memref_slice %arg5[%add3A_64, %dma_start3A_67] : memref<212992x16xf32, #tpu.memory_space<hbm>> -> memref<1664x16xf32, #tpu.memory_space<hbm>>
    tpu.enqueue_dma source(%arg9 : memref<1664x16xf32, #tpu.memory_space<vmem>>) target(%dma_start3A_68 : memref<1664x16xf32, #tpu.memory_space<hbm>>) target_semaphore(%arg27 : memref<!tpu.dma_semaphore, #tpu.memory_space<semaphore_mem>>)
    %dma_wait3A_69 = arith.constant 1664 : i32
    %dma_wait3A_70 = tpu.memref_slice %arg7[%dma_wait3A_69] : memref<6656xi32, #tpu.memory_space<vmem>> -> memref<1664xi32, #tpu.memory_space<vmem>>
    %dma_wait3A_71 = arith.constant 0 : i32
    %dma_wait3A_72 = tpu.memref_slice %arg17[%dma_wait3A_71] : memref<4824xf32, #tpu.memory_space<vmem_shared>> -> memref<4824xf32, #tpu.memory_space<vmem_shared>>
    tpu.wait_indirect_dma semaphore(%arg23 : memref<!tpu.dma_semaphore, #tpu.memory_space<semaphore_mem>>) src(%dma_wait3A_72 : memref<4824xf32, #tpu.memory_space<vmem_shared>>) dst(%arg13 : memref<1664xf32, #tpu.memory_space<vmem>>)
    %add3A_73 = arith.constant 1664 : i32
    %add3A_74 = arith.addi %mul3A_2, %add3A_73 : i32
    %dma_start3A_75 = tpu.memref_slice %arg6[%add3A_74] : memref<212992xf32, #tpu.memory_space<hbm>> -> memref<1664xf32, #tpu.memory_space<hbm>>
    %dma_start3A_76 = tpu.memref_slice %arg6[%add3A_74] : memref<212992xf32, #tpu.memory_space<hbm>> -> memref<1664xf32, #tpu.memory_space<hbm>>
    tpu.enqueue_dma source(%arg13 : memref<1664xf32, #tpu.memory_space<vmem>>) target(%dma_start3A_76 : memref<1664xf32, #tpu.memory_space<hbm>>) target_semaphore(%arg31 : memref<!tpu.dma_semaphore, #tpu.memory_space<semaphore_mem>>)
    %dma_wait3A_77 = arith.constant 3328 : i32
    %dma_wait3A_78 = tpu.memref_slice %arg7[%dma_wait3A_77] : memref<6656xi32, #tpu.memory_space<vmem>> -> memref<1664xi32, #tpu.memory_space<vmem>>
    %dma_wait3A_79 = arith.constant 0 : i32
    %dma_wait3A_80 = arith.constant 0 : i32
    %dma_wait3A_81 = tpu.memref_slice %arg16[%dma_wait3A_79, %dma_wait3A_80] : memref<4824x16xf32, #tpu.memory_space<vmem_shared>> -> memref<4824x16xf32, #tpu.memory_space<vmem_shared>>
    tpu.wait_indirect_dma semaphore(%arg20 : memref<!tpu.dma_semaphore, #tpu.memory_space<semaphore_mem>>) src(%dma_wait3A_81 : memref<4824x16xf32, #tpu.memory_space<vmem_shared>>) dst(%arg10 : memref<1664x16xf32, #tpu.memory_space<vmem>>)
    %add3A_82 = arith.constant 3328 : i32
    %add3A_83 = arith.addi %mul3A_2, %add3A_82 : i32
    %dma_start3A_84 = arith.constant 0 : i32
    %dma_start3A_85 = tpu.memref_slice %arg5[%add3A_83, %dma_start3A_84] : memref<212992x16xf32, #tpu.memory_space<hbm>> -> memref<1664x16xf32, #tpu.memory_space<hbm>>
    %dma_start3A_86 = arith.constant 0 : i32
    %dma_start3A_87 = tpu.memref_slice %arg5[%add3A_83, %dma_start3A_86] : memref<212992x16xf32, #tpu.memory_space<hbm>> -> memref<1664x16xf32, #tpu.memory_space<hbm>>
    tpu.enqueue_dma source(%arg10 : memref<1664x16xf32, #tpu.memory_space<vmem>>) target(%dma_start3A_87 : memref<1664x16xf32, #tpu.memory_space<hbm>>) target_semaphore(%arg28 : memref<!tpu.dma_semaphore, #tpu.memory_space<semaphore_mem>>)
    %dma_wait3A_88 = arith.constant 3328 : i32
    %dma_wait3A_89 = tpu.memref_slice %arg7[%dma_wait3A_88] : memref<6656xi32, #tpu.memory_space<vmem>> -> memref<1664xi32, #tpu.memory_space<vmem>>
    %dma_wait3A_90 = arith.constant 0 : i32
    %dma_wait3A_91 = tpu.memref_slice %arg17[%dma_wait3A_90] : memref<4824xf32, #tpu.memory_space<vmem_shared>> -> memref<4824xf32, #tpu.memory_space<vmem_shared>>
    tpu.wait_indirect_dma semaphore(%arg24 : memref<!tpu.dma_semaphore, #tpu.memory_space<semaphore_mem>>) src(%dma_wait3A_91 : memref<4824xf32, #tpu.memory_space<vmem_shared>>) dst(%arg14 : memref<1664xf32, #tpu.memory_space<vmem>>)
    %add3A_92 = arith.constant 3328 : i32
    %add3A_93 = arith.addi %mul3A_2, %add3A_92 : i32
    %dma_start3A_94 = tpu.memref_slice %arg6[%add3A_93] : memref<212992xf32, #tpu.memory_space<hbm>> -> memref<1664xf32, #tpu.memory_space<hbm>>
    %dma_start3A_95 = tpu.memref_slice %arg6[%add3A_93] : memref<212992xf32, #tpu.memory_space<hbm>> -> memref<1664xf32, #tpu.memory_space<hbm>>
    tpu.enqueue_dma source(%arg14 : memref<1664xf32, #tpu.memory_space<vmem>>) target(%dma_start3A_95 : memref<1664xf32, #tpu.memory_space<hbm>>) target_semaphore(%arg32 : memref<!tpu.dma_semaphore, #tpu.memory_space<semaphore_mem>>)
    %dma_wait3A_96 = arith.constant 4992 : i32
    %dma_wait3A_97 = tpu.memref_slice %arg7[%dma_wait3A_96] : memref<6656xi32, #tpu.memory_space<vmem>> -> memref<1664xi32, #tpu.memory_space<vmem>>
    %dma_wait3A_98 = arith.constant 0 : i32
    %dma_wait3A_99 = arith.constant 0 : i32
    %dma_wait3A_100 = tpu.memref_slice %arg16[%dma_wait3A_98, %dma_wait3A_99] : memref<4824x16xf32, #tpu.memory_space<vmem_shared>> -> memref<4824x16xf32, #tpu.memory_space<vmem_shared>>
    tpu.wait_indirect_dma semaphore(%arg21 : memref<!tpu.dma_semaphore, #tpu.memory_space<semaphore_mem>>) src(%dma_wait3A_100 : memref<4824x16xf32, #tpu.memory_space<vmem_shared>>) dst(%arg11 : memref<1664x16xf32, #tpu.memory_space<vmem>>)
    %add3A_101 = arith.constant 4992 : i32
    %add3A_102 = arith.addi %mul3A_2, %add3A_101 : i32
    %dma_start3A_103 = arith.constant 0 : i32
    %dma_start3A_104 = tpu.memref_slice %arg5[%add3A_102, %dma_start3A_103] : memref<212992x16xf32, #tpu.memory_space<hbm>> -> memref<1664x16xf32, #tpu.memory_space<hbm>>
    %dma_start3A_105 = arith.constant 0 : i32
    %dma_start3A_106 = tpu.memref_slice %arg5[%add3A_102, %dma_start3A_105] : memref<212992x16xf32, #tpu.memory_space<hbm>> -> memref<1664x16xf32, #tpu.memory_space<hbm>>
    tpu.enqueue_dma source(%arg11 : memref<1664x16xf32, #tpu.memory_space<vmem>>) target(%dma_start3A_106 : memref<1664x16xf32, #tpu.memory_space<hbm>>) target_semaphore(%arg29 : memref<!tpu.dma_semaphore, #tpu.memory_space<semaphore_mem>>)
    %dma_wait3A_107 = arith.constant 4992 : i32
    %dma_wait3A_108 = tpu.memref_slice %arg7[%dma_wait3A_107] : memref<6656xi32, #tpu.memory_space<vmem>> -> memref<1664xi32, #tpu.memory_space<vmem>>
    %dma_wait3A_109 = arith.constant 0 : i32
    %dma_wait3A_110 = tpu.memref_slice %arg17[%dma_wait3A_109] : memref<4824xf32, #tpu.memory_space<vmem_shared>> -> memref<4824xf32, #tpu.memory_space<vmem_shared>>
    tpu.wait_indirect_dma semaphore(%arg25 : memref<!tpu.dma_semaphore, #tpu.memory_space<semaphore_mem>>) src(%dma_wait3A_110 : memref<4824xf32, #tpu.memory_space<vmem_shared>>) dst(%arg15 : memref<1664xf32, #tpu.memory_space<vmem>>)
    %add3A_111 = arith.constant 4992 : i32
    %add3A_112 = arith.addi %mul3A_2, %add3A_111 : i32
    %dma_start3A_113 = tpu.memref_slice %arg6[%add3A_112] : memref<212992xf32, #tpu.memory_space<hbm>> -> memref<1664xf32, #tpu.memory_space<hbm>>
    %dma_start3A_114 = tpu.memref_slice %arg6[%add3A_112] : memref<212992xf32, #tpu.memory_space<hbm>> -> memref<1664xf32, #tpu.memory_space<hbm>>
    tpu.enqueue_dma source(%arg15 : memref<1664xf32, #tpu.memory_space<vmem>>) target(%dma_start3A_114 : memref<1664xf32, #tpu.memory_space<hbm>>) target_semaphore(%arg33 : memref<!tpu.dma_semaphore, #tpu.memory_space<semaphore_mem>>)
    %dma_wait3A_115 = arith.constant 0 : i32
    %dma_wait3A_116 = tpu.memref_slice %arg5[%add3A_45, %dma_wait3A_115] : memref<212992x16xf32, #tpu.memory_space<hbm>> -> memref<1664x16xf32, #tpu.memory_space<hbm>>
    %dma_wait3A_117 = arith.constant 0 : i32
    %dma_wait3A_118 = tpu.memref_slice %arg5[%add3A_45, %dma_wait3A_117] : memref<212992x16xf32, #tpu.memory_space<hbm>> -> memref<1664x16xf32, #tpu.memory_space<hbm>>
    tpu.wait_dma2 semaphore(%arg26 : memref<!tpu.dma_semaphore, #tpu.memory_space<semaphore_mem>>) src(%arg8 : memref<1664x16xf32, #tpu.memory_space<vmem>>) dst(%dma_wait3A_118 : memref<1664x16xf32, #tpu.memory_space<hbm>>)
    %dma_wait3A_119 = tpu.memref_slice %arg6[%add3A_55] : memref<212992xf32, #tpu.memory_space<hbm>> -> memref<1664xf32, #tpu.memory_space<hbm>>
    %dma_wait3A_120 = tpu.memref_slice %arg6[%add3A_55] : memref<212992xf32, #tpu.memory_space<hbm>> -> memref<1664xf32, #tpu.memory_space<hbm>>
    tpu.wait_dma2 semaphore(%arg30 : memref<!tpu.dma_semaphore, #tpu.memory_space<semaphore_mem>>) src(%arg12 : memref<1664xf32, #tpu.memory_space<vmem>>) dst(%dma_wait3A_120 : memref<1664xf32, #tpu.memory_space<hbm>>)
    %dma_wait3A_121 = arith.constant 0 : i32
    %dma_wait3A_122 = tpu.memref_slice %arg5[%add3A_64, %dma_wait3A_121] : memref<212992x16xf32, #tpu.memory_space<hbm>> -> memref<1664x16xf32, #tpu.memory_space<hbm>>
    %dma_wait3A_123 = arith.constant 0 : i32
    %dma_wait3A_124 = tpu.memref_slice %arg5[%add3A_64, %dma_wait3A_123] : memref<212992x16xf32, #tpu.memory_space<hbm>> -> memref<1664x16xf32, #tpu.memory_space<hbm>>
    tpu.wait_dma2 semaphore(%arg27 : memref<!tpu.dma_semaphore, #tpu.memory_space<semaphore_mem>>) src(%arg9 : memref<1664x16xf32, #tpu.memory_space<vmem>>) dst(%dma_wait3A_124 : memref<1664x16xf32, #tpu.memory_space<hbm>>)
    %dma_wait3A_125 = tpu.memref_slice %arg6[%add3A_74] : memref<212992xf32, #tpu.memory_space<hbm>> -> memref<1664xf32, #tpu.memory_space<hbm>>
    %dma_wait3A_126 = tpu.memref_slice %arg6[%add3A_74] : memref<212992xf32, #tpu.memory_space<hbm>> -> memref<1664xf32, #tpu.memory_space<hbm>>
    tpu.wait_dma2 semaphore(%arg31 : memref<!tpu.dma_semaphore, #tpu.memory_space<semaphore_mem>>) src(%arg13 : memref<1664xf32, #tpu.memory_space<vmem>>) dst(%dma_wait3A_126 : memref<1664xf32, #tpu.memory_space<hbm>>)
    %dma_wait3A_127 = arith.constant 0 : i32
    %dma_wait3A_128 = tpu.memref_slice %arg5[%add3A_83, %dma_wait3A_127] : memref<212992x16xf32, #tpu.memory_space<hbm>> -> memref<1664x16xf32, #tpu.memory_space<hbm>>
    %dma_wait3A_129 = arith.constant 0 : i32
    %dma_wait3A_130 = tpu.memref_slice %arg5[%add3A_83, %dma_wait3A_129] : memref<212992x16xf32, #tpu.memory_space<hbm>> -> memref<1664x16xf32, #tpu.memory_space<hbm>>
    tpu.wait_dma2 semaphore(%arg28 : memref<!tpu.dma_semaphore, #tpu.memory_space<semaphore_mem>>) src(%arg10 : memref<1664x16xf32, #tpu.memory_space<vmem>>) dst(%dma_wait3A_130 : memref<1664x16xf32, #tpu.memory_space<hbm>>)
    %dma_wait3A_131 = tpu.memref_slice %arg6[%add3A_93] : memref<212992xf32, #tpu.memory_space<hbm>> -> memref<1664xf32, #tpu.memory_space<hbm>>
    %dma_wait3A_132 = tpu.memref_slice %arg6[%add3A_93] : memref<212992xf32, #tpu.memory_space<hbm>> -> memref<1664xf32, #tpu.memory_space<hbm>>
    tpu.wait_dma2 semaphore(%arg32 : memref<!tpu.dma_semaphore, #tpu.memory_space<semaphore_mem>>) src(%arg14 : memref<1664xf32, #tpu.memory_space<vmem>>) dst(%dma_wait3A_132 : memref<1664xf32, #tpu.memory_space<hbm>>)
    %dma_wait3A_133 = arith.constant 0 : i32
    %dma_wait3A_134 = tpu.memref_slice %arg5[%add3A_102, %dma_wait3A_133] : memref<212992x16xf32, #tpu.memory_space<hbm>> -> memref<1664x16xf32, #tpu.memory_space<hbm>>
    %dma_wait3A_135 = arith.constant 0 : i32
    %dma_wait3A_136 = tpu.memref_slice %arg5[%add3A_102, %dma_wait3A_135] : memref<212992x16xf32, #tpu.memory_space<hbm>> -> memref<1664x16xf32, #tpu.memory_space<hbm>>
    tpu.wait_dma2 semaphore(%arg29 : memref<!tpu.dma_semaphore, #tpu.memory_space<semaphore_mem>>) src(%arg11 : memref<1664x16xf32, #tpu.memory_space<vmem>>) dst(%dma_wait3A_136 : memref<1664x16xf32, #tpu.memory_space<hbm>>)
    %dma_wait3A_137 = tpu.memref_slice %arg6[%add3A_112] : memref<212992xf32, #tpu.memory_space<hbm>> -> memref<1664xf32, #tpu.memory_space<hbm>>
    %dma_wait3A_138 = tpu.memref_slice %arg6[%add3A_112] : memref<212992xf32, #tpu.memory_space<hbm>> -> memref<1664xf32, #tpu.memory_space<hbm>>
    tpu.wait_dma2 semaphore(%arg33 : memref<!tpu.dma_semaphore, #tpu.memory_space<semaphore_mem>>) src(%arg15 : memref<1664xf32, #tpu.memory_space<vmem>>) dst(%dma_wait3A_138 : memref<1664xf32, #tpu.memory_space<hbm>>)
    return
  }
}

#map = affine_map<(d0, d1) -> (0)>
#map1 = affine_map<(d0, d1) -> (0, 0)>
module attributes {stable_mosaic.version = 14 : i64} {
  func.func @k(%arg0: i32, %arg1: i32, %arg2: memref<212992xi32, #tpu.memory_space<hbm>>, %arg3: memref<4824xf32, #tpu.memory_space<hbm>>, %arg4: memref<4824x16xf32, #tpu.memory_space<hbm>>, %arg5: memref<212992x16xf32, #tpu.memory_space<hbm>>, %arg6: memref<212992xf32, #tpu.memory_space<hbm>>, %arg7: memref<6656xi32, #tpu.memory_space<vmem>>, %arg8: memref<1664x16xf32, #tpu.memory_space<vmem>>, %arg9: memref<1664x16xf32, #tpu.memory_space<vmem>>, %arg10: memref<1664x16xf32, #tpu.memory_space<vmem>>, %arg11: memref<1664x16xf32, #tpu.memory_space<vmem>>, %arg12: memref<1664xf32, #tpu.memory_space<vmem>>, %arg13: memref<1664xf32, #tpu.memory_space<vmem>>, %arg14: memref<1664xf32, #tpu.memory_space<vmem>>, %arg15: memref<1664xf32, #tpu.memory_space<vmem>>, %arg16: memref<4824x16xf32, #tpu.memory_space<vmem_shared>>, %arg17: memref<4824xf32, #tpu.memory_space<vmem_shared>>, %arg18: memref<!tpu.dma_semaphore, #tpu.memory_space<semaphore_mem>>, %arg19: memref<!tpu.dma_semaphore, #tpu.memory_space<semaphore_mem>>, %arg20: memref<!tpu.dma_semaphore, #tpu.memory_space<semaphore_mem>>, %arg21: memref<!tpu.dma_semaphore, #tpu.memory_space<semaphore_mem>>, %arg22: memref<!tpu.dma_semaphore, #tpu.memory_space<semaphore_mem>>, %arg23: memref<!tpu.dma_semaphore, #tpu.memory_space<semaphore_mem>>, %arg24: memref<!tpu.dma_semaphore, #tpu.memory_space<semaphore_mem>>, %arg25: memref<!tpu.dma_semaphore, #tpu.memory_space<semaphore_mem>>, %arg26: memref<!tpu.dma_semaphore, #tpu.memory_space<semaphore_mem>>, %arg27: memref<!tpu.dma_semaphore, #tpu.memory_space<semaphore_mem>>, %arg28: memref<!tpu.dma_semaphore, #tpu.memory_space<semaphore_mem>>, %arg29: memref<!tpu.dma_semaphore, #tpu.memory_space<semaphore_mem>>, %arg30: memref<!tpu.dma_semaphore, #tpu.memory_space<semaphore_mem>>, %arg31: memref<!tpu.dma_semaphore, #tpu.memory_space<semaphore_mem>>, %arg32: memref<!tpu.dma_semaphore, #tpu.memory_space<semaphore_mem>>, %arg33: memref<!tpu.dma_semaphore, #tpu.memory_space<semaphore_mem>>) attributes {dimension_semantics = [#tpu.dimension_semantics<core_parallel>, #tpu.dimension_semantics<subcore_parallel>], iteration_bounds = array<i64: 2, 16>, scalar_prefetch = 0 : i64, scratch_operands = 27 : i64, tpu.core_type = #tpu.core_type<sc_vector_subcore>, window_params = [{transform_indices = #map}, {transform_indices = #map}, {transform_indices = #map1}, {transform_indices = #map1}, {transform_indices = #map}]} {
    %mul3A = arith.constant 2 : i32
    %mul3A_0 = arith.muli %arg1, %mul3A : i32
    %add3A = arith.addi %mul3A_0, %arg0 : i32
    %mul3A_1 = arith.constant 6656 : i32
    %mul3A_2 = arith.muli %add3A, %mul3A_1 : i32
    %eq3A = arith.constant 0 : i32
    %eq3A_3 = arith.cmpi eq, %arg1, %eq3A : i32
    %convert_element_type3A = arith.extui %eq3A_3 : i1 to i32
    %cond3A = arith.constant 0 : i32
    %cond3A_4 = arith.cmpi ne, %convert_element_type3A, %cond3A : i32
    scf.if %cond3A_4 {
      "tpu.region"() ({
        %run_scoped3A = tpu.sem_alloc : memref<!tpu.dma_semaphore, #tpu.memory_space<semaphore_mem>>
        tpu.enqueue_dma source(%arg4 : memref<4824x16xf32, #tpu.memory_space<hbm>>) target(%arg16 : memref<4824x16xf32, #tpu.memory_space<vmem_shared>>) target_semaphore(%run_scoped3A : memref<!tpu.dma_semaphore, #tpu.memory_space<semaphore_mem>>)
        tpu.wait_dma2 semaphore(%run_scoped3A : memref<!tpu.dma_semaphore, #tpu.memory_space<semaphore_mem>>) src(%arg4 : memref<4824x16xf32, #tpu.memory_space<hbm>>) dst(%arg16 : memref<4824x16xf32, #tpu.memory_space<vmem_shared>>)
        tpu.yield
      }) : () -> ()
      "tpu.region"() ({
        %run_scoped3A = tpu.sem_alloc : memref<!tpu.dma_semaphore, #tpu.memory_space<semaphore_mem>>
        tpu.enqueue_dma source(%arg3 : memref<4824xf32, #tpu.memory_space<hbm>>) target(%arg17 : memref<4824xf32, #tpu.memory_space<vmem_shared>>) target_semaphore(%run_scoped3A : memref<!tpu.dma_semaphore, #tpu.memory_space<semaphore_mem>>)
        tpu.wait_dma2 semaphore(%run_scoped3A : memref<!tpu.dma_semaphore, #tpu.memory_space<semaphore_mem>>) src(%arg3 : memref<4824xf32, #tpu.memory_space<hbm>>) dst(%arg17 : memref<4824xf32, #tpu.memory_space<vmem_shared>>)
        tpu.yield
      }) : () -> ()
    } else {
    }
    "tpu.region"() ({
      %run_scoped3A = tpu.sem_alloc : memref<!tpu.dma_semaphore, #tpu.memory_space<semaphore_mem>>
      %dma_start3A_139 = tpu.memref_slice %arg2[%mul3A_2] : memref<212992xi32, #tpu.memory_space<hbm>> -> memref<6656xi32, #tpu.memory_space<hbm>>
      %dma_start3A_140 = tpu.memref_slice %arg2[%mul3A_2] : memref<212992xi32, #tpu.memory_space<hbm>> -> memref<6656xi32, #tpu.memory_space<hbm>>
      tpu.enqueue_dma source(%dma_start3A_140 : memref<6656xi32, #tpu.memory_space<hbm>>) target(%arg7 : memref<6656xi32, #tpu.memory_space<vmem>>) target_semaphore(%run_scoped3A : memref<!tpu.dma_semaphore, #tpu.memory_space<semaphore_mem>>)
      %dma_wait3A_141 = tpu.memref_slice %arg2[%mul3A_2] : memref<212992xi32, #tpu.memory_space<hbm>> -> memref<6656xi32, #tpu.memory_space<hbm>>
      %dma_wait3A_142 = tpu.memref_slice %arg2[%mul3A_2] : memref<212992xi32, #tpu.memory_space<hbm>> -> memref<6656xi32, #tpu.memory_space<hbm>>
      tpu.wait_dma2 semaphore(%run_scoped3A : memref<!tpu.dma_semaphore, #tpu.memory_space<semaphore_mem>>) src(%dma_wait3A_142 : memref<6656xi32, #tpu.memory_space<hbm>>) dst(%arg7 : memref<6656xi32, #tpu.memory_space<vmem>>)
      tpu.yield
    }) : () -> ()
    %barrier3A = arith.constant 0 : index
    tpu.barrier barrier_id(%barrier3A)
    %dma_start3A = arith.constant 0 : i32
    %dma_start3A_5 = tpu.memref_slice %arg7[%dma_start3A] : memref<6656xi32, #tpu.memory_space<vmem>> -> memref<1664xi32, #tpu.memory_space<vmem>>
    %dma_start3A_6 = arith.constant 0 : i32
    %dma_start3A_7 = arith.constant 0 : i32
    %dma_start3A_8 = tpu.memref_slice %arg16[%dma_start3A_6, %dma_start3A_7] : memref<4824x16xf32, #tpu.memory_space<vmem_shared>> -> memref<4824x16xf32, #tpu.memory_space<vmem_shared>>
    tpu.enqueue_indirect_dma source(%dma_start3A_8 : memref<4824x16xf32, #tpu.memory_space<vmem_shared>>) target(%arg8 : memref<1664x16xf32, #tpu.memory_space<vmem>>) offsets(%dma_start3A_5 : memref<1664xi32, #tpu.memory_space<vmem>>) semaphore(%arg18 : memref<!tpu.dma_semaphore, #tpu.memory_space<semaphore_mem>>)
    %dma_start3A_9 = arith.constant 1664 : i32
    %dma_start3A_10 = tpu.memref_slice %arg7[%dma_start3A_9] : memref<6656xi32, #tpu.memory_space<vmem>> -> memref<1664xi32, #tpu.memory_space<vmem>>
    %dma_start3A_11 = arith.constant 0 : i32
    %dma_start3A_12 = arith.constant 0 : i32
    %dma_start3A_13 = tpu.memref_slice %arg16[%dma_start3A_11, %dma_start3A_12] : memref<4824x16xf32, #tpu.memory_space<vmem_shared>> -> memref<4824x16xf32, #tpu.memory_space<vmem_shared>>
    tpu.enqueue_indirect_dma source(%dma_start3A_13 : memref<4824x16xf32, #tpu.memory_space<vmem_shared>>) target(%arg9 : memref<1664x16xf32, #tpu.memory_space<vmem>>) offsets(%dma_start3A_10 : memref<1664xi32, #tpu.memory_space<vmem>>) semaphore(%arg19 : memref<!tpu.dma_semaphore, #tpu.memory_space<semaphore_mem>>)
    %dma_start3A_14 = arith.constant 3328 : i32
    %dma_start3A_15 = tpu.memref_slice %arg7[%dma_start3A_14] : memref<6656xi32, #tpu.memory_space<vmem>> -> memref<1664xi32, #tpu.memory_space<vmem>>
    %dma_start3A_16 = arith.constant 0 : i32
    %dma_start3A_17 = arith.constant 0 : i32
    %dma_start3A_18 = tpu.memref_slice %arg16[%dma_start3A_16, %dma_start3A_17] : memref<4824x16xf32, #tpu.memory_space<vmem_shared>> -> memref<4824x16xf32, #tpu.memory_space<vmem_shared>>
    tpu.enqueue_indirect_dma source(%dma_start3A_18 : memref<4824x16xf32, #tpu.memory_space<vmem_shared>>) target(%arg10 : memref<1664x16xf32, #tpu.memory_space<vmem>>) offsets(%dma_start3A_15 : memref<1664xi32, #tpu.memory_space<vmem>>) semaphore(%arg20 : memref<!tpu.dma_semaphore, #tpu.memory_space<semaphore_mem>>)
    %dma_start3A_19 = arith.constant 4992 : i32
    %dma_start3A_20 = tpu.memref_slice %arg7[%dma_start3A_19] : memref<6656xi32, #tpu.memory_space<vmem>> -> memref<1664xi32, #tpu.memory_space<vmem>>
    %dma_start3A_21 = arith.constant 0 : i32
    %dma_start3A_22 = arith.constant 0 : i32
    %dma_start3A_23 = tpu.memref_slice %arg16[%dma_start3A_21, %dma_start3A_22] : memref<4824x16xf32, #tpu.memory_space<vmem_shared>> -> memref<4824x16xf32, #tpu.memory_space<vmem_shared>>
    tpu.enqueue_indirect_dma source(%dma_start3A_23 : memref<4824x16xf32, #tpu.memory_space<vmem_shared>>) target(%arg11 : memref<1664x16xf32, #tpu.memory_space<vmem>>) offsets(%dma_start3A_20 : memref<1664xi32, #tpu.memory_space<vmem>>) semaphore(%arg21 : memref<!tpu.dma_semaphore, #tpu.memory_space<semaphore_mem>>)
    %dma_start3A_24 = arith.constant 0 : i32
    %dma_start3A_25 = tpu.memref_slice %arg7[%dma_start3A_24] : memref<6656xi32, #tpu.memory_space<vmem>> -> memref<1664xi32, #tpu.memory_space<vmem>>
    %dma_start3A_26 = arith.constant 0 : i32
    %dma_start3A_27 = tpu.memref_slice %arg17[%dma_start3A_26] : memref<4824xf32, #tpu.memory_space<vmem_shared>> -> memref<4824xf32, #tpu.memory_space<vmem_shared>>
    tpu.enqueue_indirect_dma source(%dma_start3A_27 : memref<4824xf32, #tpu.memory_space<vmem_shared>>) target(%arg12 : memref<1664xf32, #tpu.memory_space<vmem>>) offsets(%dma_start3A_25 : memref<1664xi32, #tpu.memory_space<vmem>>) semaphore(%arg22 : memref<!tpu.dma_semaphore, #tpu.memory_space<semaphore_mem>>)
    %dma_start3A_28 = arith.constant 1664 : i32
    %dma_start3A_29 = tpu.memref_slice %arg7[%dma_start3A_28] : memref<6656xi32, #tpu.memory_space<vmem>> -> memref<1664xi32, #tpu.memory_space<vmem>>
    %dma_start3A_30 = arith.constant 0 : i32
    %dma_start3A_31 = tpu.memref_slice %arg17[%dma_start3A_30] : memref<4824xf32, #tpu.memory_space<vmem_shared>> -> memref<4824xf32, #tpu.memory_space<vmem_shared>>
    tpu.enqueue_indirect_dma source(%dma_start3A_31 : memref<4824xf32, #tpu.memory_space<vmem_shared>>) target(%arg13 : memref<1664xf32, #tpu.memory_space<vmem>>) offsets(%dma_start3A_29 : memref<1664xi32, #tpu.memory_space<vmem>>) semaphore(%arg23 : memref<!tpu.dma_semaphore, #tpu.memory_space<semaphore_mem>>)
    %dma_start3A_32 = arith.constant 3328 : i32
    %dma_start3A_33 = tpu.memref_slice %arg7[%dma_start3A_32] : memref<6656xi32, #tpu.memory_space<vmem>> -> memref<1664xi32, #tpu.memory_space<vmem>>
    %dma_start3A_34 = arith.constant 0 : i32
    %dma_start3A_35 = tpu.memref_slice %arg17[%dma_start3A_34] : memref<4824xf32, #tpu.memory_space<vmem_shared>> -> memref<4824xf32, #tpu.memory_space<vmem_shared>>
    tpu.enqueue_indirect_dma source(%dma_start3A_35 : memref<4824xf32, #tpu.memory_space<vmem_shared>>) target(%arg14 : memref<1664xf32, #tpu.memory_space<vmem>>) offsets(%dma_start3A_33 : memref<1664xi32, #tpu.memory_space<vmem>>) semaphore(%arg24 : memref<!tpu.dma_semaphore, #tpu.memory_space<semaphore_mem>>)
    %dma_start3A_36 = arith.constant 4992 : i32
    %dma_start3A_37 = tpu.memref_slice %arg7[%dma_start3A_36] : memref<6656xi32, #tpu.memory_space<vmem>> -> memref<1664xi32, #tpu.memory_space<vmem>>
    %dma_start3A_38 = arith.constant 0 : i32
    %dma_start3A_39 = tpu.memref_slice %arg17[%dma_start3A_38] : memref<4824xf32, #tpu.memory_space<vmem_shared>> -> memref<4824xf32, #tpu.memory_space<vmem_shared>>
    tpu.enqueue_indirect_dma source(%dma_start3A_39 : memref<4824xf32, #tpu.memory_space<vmem_shared>>) target(%arg15 : memref<1664xf32, #tpu.memory_space<vmem>>) offsets(%dma_start3A_37 : memref<1664xi32, #tpu.memory_space<vmem>>) semaphore(%arg25 : memref<!tpu.dma_semaphore, #tpu.memory_space<semaphore_mem>>)
    %dma_wait3A = arith.constant 0 : i32
    %dma_wait3A_40 = tpu.memref_slice %arg7[%dma_wait3A] : memref<6656xi32, #tpu.memory_space<vmem>> -> memref<1664xi32, #tpu.memory_space<vmem>>
    %dma_wait3A_41 = arith.constant 0 : i32
    %dma_wait3A_42 = arith.constant 0 : i32
    %dma_wait3A_43 = tpu.memref_slice %arg16[%dma_wait3A_41, %dma_wait3A_42] : memref<4824x16xf32, #tpu.memory_space<vmem_shared>> -> memref<4824x16xf32, #tpu.memory_space<vmem_shared>>
    tpu.wait_indirect_dma semaphore(%arg18 : memref<!tpu.dma_semaphore, #tpu.memory_space<semaphore_mem>>) src(%dma_wait3A_43 : memref<4824x16xf32, #tpu.memory_space<vmem_shared>>) dst(%arg8 : memref<1664x16xf32, #tpu.memory_space<vmem>>)
    %add3A_44 = arith.constant 0 : i32
    %add3A_45 = arith.addi %mul3A_2, %add3A_44 : i32
    %dma_start3A_46 = arith.constant 0 : i32
    %dma_start3A_47 = tpu.memref_slice %arg5[%add3A_45, %dma_start3A_46] : memref<212992x16xf32, #tpu.memory_space<hbm>> -> memref<1664x16xf32, #tpu.memory_space<hbm>>
    %dma_start3A_48 = arith.constant 0 : i32
    %dma_start3A_49 = tpu.memref_slice %arg5[%add3A_45, %dma_start3A_48] : memref<212992x16xf32, #tpu.memory_space<hbm>> -> memref<1664x16xf32, #tpu.memory_space<hbm>>
    tpu.enqueue_dma source(%arg8 : memref<1664x16xf32, #tpu.memory_space<vmem>>) target(%dma_start3A_49 : memref<1664x16xf32, #tpu.memory_space<hbm>>) target_semaphore(%arg26 : memref<!tpu.dma_semaphore, #tpu.memory_space<semaphore_mem>>)
    %dma_wait3A_50 = arith.constant 0 : i32
    %dma_wait3A_51 = tpu.memref_slice %arg7[%dma_wait3A_50] : memref<6656xi32, #tpu.memory_space<vmem>> -> memref<1664xi32, #tpu.memory_space<vmem>>
    %dma_wait3A_52 = arith.constant 0 : i32
    %dma_wait3A_53 = tpu.memref_slice %arg17[%dma_wait3A_52] : memref<4824xf32, #tpu.memory_space<vmem_shared>> -> memref<4824xf32, #tpu.memory_space<vmem_shared>>
    tpu.wait_indirect_dma semaphore(%arg22 : memref<!tpu.dma_semaphore, #tpu.memory_space<semaphore_mem>>) src(%dma_wait3A_53 : memref<4824xf32, #tpu.memory_space<vmem_shared>>) dst(%arg12 : memref<1664xf32, #tpu.memory_space<vmem>>)
    %add3A_54 = arith.constant 0 : i32
    %add3A_55 = arith.addi %mul3A_2, %add3A_54 : i32
    %dma_start3A_56 = tpu.memref_slice %arg6[%add3A_55] : memref<212992xf32, #tpu.memory_space<hbm>> -> memref<1664xf32, #tpu.memory_space<hbm>>
    %dma_start3A_57 = tpu.memref_slice %arg6[%add3A_55] : memref<212992xf32, #tpu.memory_space<hbm>> -> memref<1664xf32, #tpu.memory_space<hbm>>
    tpu.enqueue_dma source(%arg12 : memref<1664xf32, #tpu.memory_space<vmem>>) target(%dma_start3A_57 : memref<1664xf32, #tpu.memory_space<hbm>>) target_semaphore(%arg30 : memref<!tpu.dma_semaphore, #tpu.memory_space<semaphore_mem>>)
    %dma_wait3A_58 = arith.constant 1664 : i32
    %dma_wait3A_59 = tpu.memref_slice %arg7[%dma_wait3A_58] : memref<6656xi32, #tpu.memory_space<vmem>> -> memref<1664xi32, #tpu.memory_space<vmem>>
    %dma_wait3A_60 = arith.constant 0 : i32
    %dma_wait3A_61 = arith.constant 0 : i32
    %dma_wait3A_62 = tpu.memref_slice %arg16[%dma_wait3A_60, %dma_wait3A_61] : memref<4824x16xf32, #tpu.memory_space<vmem_shared>> -> memref<4824x16xf32, #tpu.memory_space<vmem_shared>>
    tpu.wait_indirect_dma semaphore(%arg19 : memref<!tpu.dma_semaphore, #tpu.memory_space<semaphore_mem>>) src(%dma_wait3A_62 : memref<4824x16xf32, #tpu.memory_space<vmem_shared>>) dst(%arg9 : memref<1664x16xf32, #tpu.memory_space<vmem>>)
    %add3A_63 = arith.constant 1664 : i32
    %add3A_64 = arith.addi %mul3A_2, %add3A_63 : i32
    %dma_start3A_65 = arith.constant 0 : i32
    %dma_start3A_66 = tpu.memref_slice %arg5[%add3A_64, %dma_start3A_65] : memref<212992x16xf32, #tpu.memory_space<hbm>> -> memref<1664x16xf32, #tpu.memory_space<hbm>>
    %dma_start3A_67 = arith.constant 0 : i32
    %dma_start3A_68 = tpu.memref_slice %arg5[%add3A_64, %dma_start3A_67] : memref<212992x16xf32, #tpu.memory_space<hbm>> -> memref<1664x16xf32, #tpu.memory_space<hbm>>
    tpu.enqueue_dma source(%arg9 : memref<1664x16xf32, #tpu.memory_space<vmem>>) target(%dma_start3A_68 : memref<1664x16xf32, #tpu.memory_space<hbm>>) target_semaphore(%arg27 : memref<!tpu.dma_semaphore, #tpu.memory_space<semaphore_mem>>)
    %dma_wait3A_69 = arith.constant 1664 : i32
    %dma_wait3A_70 = tpu.memref_slice %arg7[%dma_wait3A_69] : memref<6656xi32, #tpu.memory_space<vmem>> -> memref<1664xi32, #tpu.memory_space<vmem>>
    %dma_wait3A_71 = arith.constant 0 : i32
    %dma_wait3A_72 = tpu.memref_slice %arg17[%dma_wait3A_71] : memref<4824xf32, #tpu.memory_space<vmem_shared>> -> memref<4824xf32, #tpu.memory_space<vmem_shared>>
    tpu.wait_indirect_dma semaphore(%arg23 : memref<!tpu.dma_semaphore, #tpu.memory_space<semaphore_mem>>) src(%dma_wait3A_72 : memref<4824xf32, #tpu.memory_space<vmem_shared>>) dst(%arg13 : memref<1664xf32, #tpu.memory_space<vmem>>)
    %add3A_73 = arith.constant 1664 : i32
    %add3A_74 = arith.addi %mul3A_2, %add3A_73 : i32
    %dma_start3A_75 = tpu.memref_slice %arg6[%add3A_74] : memref<212992xf32, #tpu.memory_space<hbm>> -> memref<1664xf32, #tpu.memory_space<hbm>>
    %dma_start3A_76 = tpu.memref_slice %arg6[%add3A_74] : memref<212992xf32, #tpu.memory_space<hbm>> -> memref<1664xf32, #tpu.memory_space<hbm>>
    tpu.enqueue_dma source(%arg13 : memref<1664xf32, #tpu.memory_space<vmem>>) target(%dma_start3A_76 : memref<1664xf32, #tpu.memory_space<hbm>>) target_semaphore(%arg31 : memref<!tpu.dma_semaphore, #tpu.memory_space<semaphore_mem>>)
    %dma_wait3A_77 = arith.constant 3328 : i32
    %dma_wait3A_78 = tpu.memref_slice %arg7[%dma_wait3A_77] : memref<6656xi32, #tpu.memory_space<vmem>> -> memref<1664xi32, #tpu.memory_space<vmem>>
    %dma_wait3A_79 = arith.constant 0 : i32
    %dma_wait3A_80 = arith.constant 0 : i32
    %dma_wait3A_81 = tpu.memref_slice %arg16[%dma_wait3A_79, %dma_wait3A_80] : memref<4824x16xf32, #tpu.memory_space<vmem_shared>> -> memref<4824x16xf32, #tpu.memory_space<vmem_shared>>
    tpu.wait_indirect_dma semaphore(%arg20 : memref<!tpu.dma_semaphore, #tpu.memory_space<semaphore_mem>>) src(%dma_wait3A_81 : memref<4824x16xf32, #tpu.memory_space<vmem_shared>>) dst(%arg10 : memref<1664x16xf32, #tpu.memory_space<vmem>>)
    %add3A_82 = arith.constant 3328 : i32
    %add3A_83 = arith.addi %mul3A_2, %add3A_82 : i32
    %dma_start3A_84 = arith.constant 0 : i32
    %dma_start3A_85 = tpu.memref_slice %arg5[%add3A_83, %dma_start3A_84] : memref<212992x16xf32, #tpu.memory_space<hbm>> -> memref<1664x16xf32, #tpu.memory_space<hbm>>
    %dma_start3A_86 = arith.constant 0 : i32
    %dma_start3A_87 = tpu.memref_slice %arg5[%add3A_83, %dma_start3A_86] : memref<212992x16xf32, #tpu.memory_space<hbm>> -> memref<1664x16xf32, #tpu.memory_space<hbm>>
    tpu.enqueue_dma source(%arg10 : memref<1664x16xf32, #tpu.memory_space<vmem>>) target(%dma_start3A_87 : memref<1664x16xf32, #tpu.memory_space<hbm>>) target_semaphore(%arg28 : memref<!tpu.dma_semaphore, #tpu.memory_space<semaphore_mem>>)
    %dma_wait3A_88 = arith.constant 3328 : i32
    %dma_wait3A_89 = tpu.memref_slice %arg7[%dma_wait3A_88] : memref<6656xi32, #tpu.memory_space<vmem>> -> memref<1664xi32, #tpu.memory_space<vmem>>
    %dma_wait3A_90 = arith.constant 0 : i32
    %dma_wait3A_91 = tpu.memref_slice %arg17[%dma_wait3A_90] : memref<4824xf32, #tpu.memory_space<vmem_shared>> -> memref<4824xf32, #tpu.memory_space<vmem_shared>>
    tpu.wait_indirect_dma semaphore(%arg24 : memref<!tpu.dma_semaphore, #tpu.memory_space<semaphore_mem>>) src(%dma_wait3A_91 : memref<4824xf32, #tpu.memory_space<vmem_shared>>) dst(%arg14 : memref<1664xf32, #tpu.memory_space<vmem>>)
    %add3A_92 = arith.constant 3328 : i32
    %add3A_93 = arith.addi %mul3A_2, %add3A_92 : i32
    %dma_start3A_94 = tpu.memref_slice %arg6[%add3A_93] : memref<212992xf32, #tpu.memory_space<hbm>> -> memref<1664xf32, #tpu.memory_space<hbm>>
    %dma_start3A_95 = tpu.memref_slice %arg6[%add3A_93] : memref<212992xf32, #tpu.memory_space<hbm>> -> memref<1664xf32, #tpu.memory_space<hbm>>
    tpu.enqueue_dma source(%arg14 : memref<1664xf32, #tpu.memory_space<vmem>>) target(%dma_start3A_95 : memref<1664xf32, #tpu.memory_space<hbm>>) target_semaphore(%arg32 : memref<!tpu.dma_semaphore, #tpu.memory_space<semaphore_mem>>)
    %dma_wait3A_96 = arith.constant 4992 : i32
    %dma_wait3A_97 = tpu.memref_slice %arg7[%dma_wait3A_96] : memref<6656xi32, #tpu.memory_space<vmem>> -> memref<1664xi32, #tpu.memory_space<vmem>>
    %dma_wait3A_98 = arith.constant 0 : i32
    %dma_wait3A_99 = arith.constant 0 : i32
    %dma_wait3A_100 = tpu.memref_slice %arg16[%dma_wait3A_98, %dma_wait3A_99] : memref<4824x16xf32, #tpu.memory_space<vmem_shared>> -> memref<4824x16xf32, #tpu.memory_space<vmem_shared>>
    tpu.wait_indirect_dma semaphore(%arg21 : memref<!tpu.dma_semaphore, #tpu.memory_space<semaphore_mem>>) src(%dma_wait3A_100 : memref<4824x16xf32, #tpu.memory_space<vmem_shared>>) dst(%arg11 : memref<1664x16xf32, #tpu.memory_space<vmem>>)
    %add3A_101 = arith.constant 4992 : i32
    %add3A_102 = arith.addi %mul3A_2, %add3A_101 : i32
    %dma_start3A_103 = arith.constant 0 : i32
    %dma_start3A_104 = tpu.memref_slice %arg5[%add3A_102, %dma_start3A_103] : memref<212992x16xf32, #tpu.memory_space<hbm>> -> memref<1664x16xf32, #tpu.memory_space<hbm>>
    %dma_start3A_105 = arith.constant 0 : i32
    %dma_start3A_106 = tpu.memref_slice %arg5[%add3A_102, %dma_start3A_105] : memref<212992x16xf32, #tpu.memory_space<hbm>> -> memref<1664x16xf32, #tpu.memory_space<hbm>>
    tpu.enqueue_dma source(%arg11 : memref<1664x16xf32, #tpu.memory_space<vmem>>) target(%dma_start3A_106 : memref<1664x16xf32, #tpu.memory_space<hbm>>) target_semaphore(%arg29 : memref<!tpu.dma_semaphore, #tpu.memory_space<semaphore_mem>>)
    %dma_wait3A_107 = arith.constant 4992 : i32
    %dma_wait3A_108 = tpu.memref_slice %arg7[%dma_wait3A_107] : memref<6656xi32, #tpu.memory_space<vmem>> -> memref<1664xi32, #tpu.memory_space<vmem>>
    %dma_wait3A_109 = arith.constant 0 : i32
    %dma_wait3A_110 = tpu.memref_slice %arg17[%dma_wait3A_109] : memref<4824xf32, #tpu.memory_space<vmem_shared>> -> memref<4824xf32, #tpu.memory_space<vmem_shared>>
    tpu.wait_indirect_dma semaphore(%arg25 : memref<!tpu.dma_semaphore, #tpu.memory_space<semaphore_mem>>) src(%dma_wait3A_110 : memref<4824xf32, #tpu.memory_space<vmem_shared>>) dst(%arg15 : memref<1664xf32, #tpu.memory_space<vmem>>)
    %add3A_111 = arith.constant 4992 : i32
    %add3A_112 = arith.addi %mul3A_2, %add3A_111 : i32
    %dma_start3A_113 = tpu.memref_slice %arg6[%add3A_112] : memref<212992xf32, #tpu.memory_space<hbm>> -> memref<1664xf32, #tpu.memory_space<hbm>>
    %dma_start3A_114 = tpu.memref_slice %arg6[%add3A_112] : memref<212992xf32, #tpu.memory_space<hbm>> -> memref<1664xf32, #tpu.memory_space<hbm>>
    tpu.enqueue_dma source(%arg15 : memref<1664xf32, #tpu.memory_space<vmem>>) target(%dma_start3A_114 : memref<1664xf32, #tpu.memory_space<hbm>>) target_semaphore(%arg33 : memref<!tpu.dma_semaphore, #tpu.memory_space<semaphore_mem>>)
    %dma_wait3A_115 = arith.constant 0 : i32
    %dma_wait3A_116 = tpu.memref_slice %arg5[%add3A_45, %dma_wait3A_115] : memref<212992x16xf32, #tpu.memory_space<hbm>> -> memref<1664x16xf32, #tpu.memory_space<hbm>>
    %dma_wait3A_117 = arith.constant 0 : i32
    %dma_wait3A_118 = tpu.memref_slice %arg5[%add3A_45, %dma_wait3A_117] : memref<212992x16xf32, #tpu.memory_space<hbm>> -> memref<1664x16xf32, #tpu.memory_space<hbm>>
    tpu.wait_dma2 semaphore(%arg26 : memref<!tpu.dma_semaphore, #tpu.memory_space<semaphore_mem>>) src(%arg8 : memref<1664x16xf32, #tpu.memory_space<vmem>>) dst(%dma_wait3A_118 : memref<1664x16xf32, #tpu.memory_space<hbm>>)
    %dma_wait3A_119 = tpu.memref_slice %arg6[%add3A_55] : memref<212992xf32, #tpu.memory_space<hbm>> -> memref<1664xf32, #tpu.memory_space<hbm>>
    %dma_wait3A_120 = tpu.memref_slice %arg6[%add3A_55] : memref<212992xf32, #tpu.memory_space<hbm>> -> memref<1664xf32, #tpu.memory_space<hbm>>
    tpu.wait_dma2 semaphore(%arg30 : memref<!tpu.dma_semaphore, #tpu.memory_space<semaphore_mem>>) src(%arg12 : memref<1664xf32, #tpu.memory_space<vmem>>) dst(%dma_wait3A_120 : memref<1664xf32, #tpu.memory_space<hbm>>)
    %dma_wait3A_121 = arith.constant 0 : i32
    %dma_wait3A_122 = tpu.memref_slice %arg5[%add3A_64, %dma_wait3A_121] : memref<212992x16xf32, #tpu.memory_space<hbm>> -> memref<1664x16xf32, #tpu.memory_space<hbm>>
    %dma_wait3A_123 = arith.constant 0 : i32
    %dma_wait3A_124 = tpu.memref_slice %arg5[%add3A_64, %dma_wait3A_123] : memref<212992x16xf32, #tpu.memory_space<hbm>> -> memref<1664x16xf32, #tpu.memory_space<hbm>>
    tpu.wait_dma2 semaphore(%arg27 : memref<!tpu.dma_semaphore, #tpu.memory_space<semaphore_mem>>) src(%arg9 : memref<1664x16xf32, #tpu.memory_space<vmem>>) dst(%dma_wait3A_124 : memref<1664x16xf32, #tpu.memory_space<hbm>>)
    %dma_wait3A_125 = tpu.memref_slice %arg6[%add3A_74] : memref<212992xf32, #tpu.memory_space<hbm>> -> memref<1664xf32, #tpu.memory_space<hbm>>
    %dma_wait3A_126 = tpu.memref_slice %arg6[%add3A_74] : memref<212992xf32, #tpu.memory_space<hbm>> -> memref<1664xf32, #tpu.memory_space<hbm>>
    tpu.wait_dma2 semaphore(%arg31 : memref<!tpu.dma_semaphore, #tpu.memory_space<semaphore_mem>>) src(%arg13 : memref<1664xf32, #tpu.memory_space<vmem>>) dst(%dma_wait3A_126 : memref<1664xf32, #tpu.memory_space<hbm>>)
    %dma_wait3A_127 = arith.constant 0 : i32
    %dma_wait3A_128 = tpu.memref_slice %arg5[%add3A_83, %dma_wait3A_127] : memref<212992x16xf32, #tpu.memory_space<hbm>> -> memref<1664x16xf32, #tpu.memory_space<hbm>>
    %dma_wait3A_129 = arith.constant 0 : i32
    %dma_wait3A_130 = tpu.memref_slice %arg5[%add3A_83, %dma_wait3A_129] : memref<212992x16xf32, #tpu.memory_space<hbm>> -> memref<1664x16xf32, #tpu.memory_space<hbm>>
    tpu.wait_dma2 semaphore(%arg28 : memref<!tpu.dma_semaphore, #tpu.memory_space<semaphore_mem>>) src(%arg10 : memref<1664x16xf32, #tpu.memory_space<vmem>>) dst(%dma_wait3A_130 : memref<1664x16xf32, #tpu.memory_space<hbm>>)
    %dma_wait3A_131 = tpu.memref_slice %arg6[%add3A_93] : memref<212992xf32, #tpu.memory_space<hbm>> -> memref<1664xf32, #tpu.memory_space<hbm>>
    %dma_wait3A_132 = tpu.memref_slice %arg6[%add3A_93] : memref<212992xf32, #tpu.memory_space<hbm>> -> memref<1664xf32, #tpu.memory_space<hbm>>
    tpu.wait_dma2 semaphore(%arg32 : memref<!tpu.dma_semaphore, #tpu.memory_space<semaphore_mem>>) src(%arg14 : memref<1664xf32, #tpu.memory_space<vmem>>) dst(%dma_wait3A_132 : memref<1664xf32, #tpu.memory_space<hbm>>)
    %dma_wait3A_133 = arith.constant 0 : i32
    %dma_wait3A_134 = tpu.memref_slice %arg5[%add3A_102, %dma_wait3A_133] : memref<212992x16xf32, #tpu.memory_space<hbm>> -> memref<1664x16xf32, #tpu.memory_space<hbm>>
    %dma_wait3A_135 = arith.constant 0 : i32
    %dma_wait3A_136 = tpu.memref_slice %arg5[%add3A_102, %dma_wait3A_135] : memref<212992x16xf32, #tpu.memory_space<hbm>> -> memref<1664x16xf32, #tpu.memory_space<hbm>>
    tpu.wait_dma2 semaphore(%arg29 : memref<!tpu.dma_semaphore, #tpu.memory_space<semaphore_mem>>) src(%arg11 : memref<1664x16xf32, #tpu.memory_space<vmem>>) dst(%dma_wait3A_136 : memref<1664x16xf32, #tpu.memory_space<hbm>>)
    %dma_wait3A_137 = tpu.memref_slice %arg6[%add3A_112] : memref<212992xf32, #tpu.memory_space<hbm>> -> memref<1664xf32, #tpu.memory_space<hbm>>
    %dma_wait3A_138 = tpu.memref_slice %arg6[%add3A_112] : memref<212992xf32, #tpu.memory_space<hbm>> -> memref<1664xf32, #tpu.memory_space<hbm>>
    tpu.wait_dma2 semaphore(%arg33 : memref<!tpu.dma_semaphore, #tpu.memory_space<semaphore_mem>>) src(%arg15 : memref<1664xf32, #tpu.memory_space<vmem>>) dst(%dma_wait3A_138 : memref<1664xf32, #tpu.memory_space<hbm>>)
    return
  }
}

module attributes {stable_mosaic.version = 14 : i64} {
  func.func @_tc_body(%arg0: i32, %arg1: memref<2048x416xf32, #tpu.memory_space<vmem>>, %arg2: memref<2048x13xf32, #tpu.memory_space<vmem>>, %arg3: memref<2048x26xf32, #tpu.memory_space<vmem>>, %arg4: memref<1x13xf32, #tpu.memory_space<vmem>>, %arg5: memref<416x256xf32, #tpu.memory_space<vmem>>, %arg6: memref<256x256xf32, #tpu.memory_space<vmem>>, %arg7: memref<1x256xf32, #tpu.memory_space<vmem>>, %arg8: memref<416x16xf32, #tpu.memory_space<vmem>>, %arg9: memref<2048x1xf32, #tpu.memory_space<vmem>>) attributes {dimension_semantics = [#tpu.dimension_semantics<arbitrary>], iteration_bounds = array<i64: 4>, scalar_prefetch = 0 : i64, scratch_operands = 0 : i64, tpu.core_type = #tpu.core_type<tc>, window_params = [{transform_indices = @transform_0, window_bounds = array<i64: 2048, 416>}, {transform_indices = @transform_1, window_bounds = array<i64: 2048, 13>}, {transform_indices = @transform_2, window_bounds = array<i64: 2048, 26>}, {pipeline_mode = #tpu.pipeline_mode<synchronous>, transform_indices = @transform_3, window_bounds = array<i64: 1, 13>}, {pipeline_mode = #tpu.pipeline_mode<synchronous>, transform_indices = @transform_4, window_bounds = array<i64: 416, 256>}, {pipeline_mode = #tpu.pipeline_mode<synchronous>, transform_indices = @transform_5, window_bounds = array<i64: 256, 256>}, {pipeline_mode = #tpu.pipeline_mode<synchronous>, transform_indices = @transform_6, window_bounds = array<i64: 1, 256>}, {pipeline_mode = #tpu.pipeline_mode<synchronous>, transform_indices = @transform_7, window_bounds = array<i64: 416, 16>}, {transform_indices = @transform_8, window_bounds = array<i64: 2048, 1>}]} {
    %get3A = arith.constant 0 : index
    %get3A_0 = arith.constant 0 : index
    %get3A_1 = vector.load %arg1[%get3A, %get3A_0] : memref<2048x416xf32, #tpu.memory_space<vmem>>, vector<2048x416xf32>
    %get3A_2 = arith.constant 0 : index
    %get3A_3 = arith.constant 0 : index
    %get3A_4 = vector.load %arg5[%get3A_2, %get3A_3] : memref<416x256xf32, #tpu.memory_space<vmem>>, vector<416x256xf32>
    %dot_general3A = arith.constant dense<0.000000e+00> : vector<2048x256xf32>
    %dot_general3A_5 = tpu.matmul %get3A_1, %get3A_4, %dot_general3A {dimension_numbers = #tpu.dot_dimension_numbers<[1], [0], [0], [1], [0, 0, 1, 1], [], []>, transpose_lhs_hint = false} : vector<2048x416xf32>, vector<416x256xf32>, vector<2048x256xf32> -> vector<2048x256xf32>
    %max3A = arith.constant 0.000000e+00 : f32
    %max3A_6 = vector.broadcast %max3A : f32 to vector<2048x256xf32>
    %max3A_7 = arith.maximumf %dot_general3A_5, %max3A_6 : vector<2048x256xf32>
    %get3A_8 = arith.constant 0 : index
    %get3A_9 = arith.constant 0 : index
    %get3A_10 = vector.load %arg6[%get3A_8, %get3A_9] : memref<256x256xf32, #tpu.memory_space<vmem>>, vector<256x256xf32>
    %dot_general3A_11 = arith.constant dense<0.000000e+00> : vector<2048x256xf32>
    %dot_general3A_12 = tpu.matmul %max3A_7, %get3A_10, %dot_general3A_11 {dimension_numbers = #tpu.dot_dimension_numbers<[1], [0], [0], [1], [0, 0, 1, 1], [], []>, transpose_lhs_hint = false} : vector<2048x256xf32>, vector<256x256xf32>, vector<2048x256xf32> -> vector<2048x256xf32>
    %max3A_13 = arith.constant 0.000000e+00 : f32
    %max3A_14 = vector.broadcast %max3A_13 : f32 to vector<2048x256xf32>
    %max3A_15 = arith.maximumf %dot_general3A_12, %max3A_14 : vector<2048x256xf32>
    %get3A_16 = arith.constant 0 : index
    %get3A_17 = arith.constant 0 : index
    %get3A_18 = vector.load %arg7[%get3A_16, %get3A_17] : memref<1x256xf32, #tpu.memory_space<vmem>>, vector<1x256xf32>
    %mul3A = vector.broadcast %get3A_18 : vector<1x256xf32> to vector<2048x256xf32>
    %mul3A_19 = arith.mulf %max3A_15, %mul3A : vector<2048x256xf32>
    %reduce_sum3A = arith.constant dense<0.000000e+00> : vector<2048xf32>
    %reduce_sum3A_20 = vector.multi_reduction <add>, %mul3A_19, %reduce_sum3A [1] : vector<2048x256xf32> to vector<2048xf32>
    %broadcast_in_dim3A = vector.shape_cast %reduce_sum3A_20 : vector<2048xf32> to vector<2048x1xf32>
    %get3A_21 = arith.constant 0 : index
    %get3A_22 = arith.constant 0 : index
    %get3A_23 = vector.load %arg8[%get3A_21, %get3A_22] : memref<416x16xf32, #tpu.memory_space<vmem>>, vector<416x16xf32>
    %dot_general3A_24 = arith.constant dense<0.000000e+00> : vector<2048x16xf32>
    %dot_general3A_25 = tpu.matmul %get3A_1, %get3A_23, %dot_general3A_24 {dimension_numbers = #tpu.dot_dimension_numbers<[1], [0], [0], [1], [0, 0, 1, 1], [], []>, transpose_lhs_hint = false} : vector<2048x416xf32>, vector<416x16xf32>, vector<2048x16xf32> -> vector<2048x16xf32>
    %mul3A_26 = arith.mulf %dot_general3A_25, %dot_general3A_25 : vector<2048x16xf32>
    %reduce_sum3A_27 = arith.constant dense<0.000000e+00> : vector<2048xf32>
    %reduce_sum3A_28 = vector.multi_reduction <add>, %mul3A_26, %reduce_sum3A_27 [1] : vector<2048x16xf32> to vector<2048xf32>
    %broadcast_in_dim3A_29 = vector.shape_cast %reduce_sum3A_28 : vector<2048xf32> to vector<2048x1xf32>
    %mul3A_30 = arith.mulf %get3A_1, %get3A_1 : vector<2048x416xf32>
    %reduce_sum3A_31 = arith.constant dense<0.000000e+00> : vector<2048xf32>
    %reduce_sum3A_32 = vector.multi_reduction <add>, %mul3A_30, %reduce_sum3A_31 [1] : vector<2048x416xf32> to vector<2048xf32>
    %broadcast_in_dim3A_33 = vector.shape_cast %reduce_sum3A_32 : vector<2048xf32> to vector<2048x1xf32>
    %sub3A = arith.subf %broadcast_in_dim3A_29, %broadcast_in_dim3A_33 : vector<2048x1xf32>
    %mul3A_34 = arith.constant 5.000000e-01 : f32
    %mul3A_35 = vector.broadcast %mul3A_34 : f32 to vector<2048x1xf32>
    %mul3A_36 = arith.mulf %mul3A_35, %sub3A : vector<2048x1xf32>
    %get3A_37 = arith.constant 0 : index
    %get3A_38 = arith.constant 0 : index
    %get3A_39 = vector.load %arg2[%get3A_37, %get3A_38] : memref<2048x13xf32, #tpu.memory_space<vmem>>, vector<2048x13xf32>
    %get3A_40 = arith.constant 0 : index
    %get3A_41 = arith.constant 0 : index
    %get3A_42 = vector.load %arg4[%get3A_40, %get3A_41] : memref<1x13xf32, #tpu.memory_space<vmem>>, vector<1x13xf32>
    %mul3A_43 = vector.broadcast %get3A_42 : vector<1x13xf32> to vector<2048x13xf32>
    %mul3A_44 = arith.mulf %get3A_39, %mul3A_43 : vector<2048x13xf32>
    %reduce_sum3A_45 = arith.constant dense<0.000000e+00> : vector<2048xf32>
    %reduce_sum3A_46 = vector.multi_reduction <add>, %mul3A_44, %reduce_sum3A_45 [1] : vector<2048x13xf32> to vector<2048xf32>
    %broadcast_in_dim3A_47 = vector.shape_cast %reduce_sum3A_46 : vector<2048xf32> to vector<2048x1xf32>
    %get3A_48 = arith.constant 0 : index
    %get3A_49 = arith.constant 0 : index
    %get3A_50 = vector.load %arg3[%get3A_48, %get3A_49] : memref<2048x26xf32, #tpu.memory_space<vmem>>, vector<2048x26xf32>
    %reduce_sum3A_51 = arith.constant dense<0.000000e+00> : vector<2048xf32>
    %reduce_sum3A_52 = vector.multi_reduction <add>, %get3A_50, %reduce_sum3A_51 [1] : vector<2048x26xf32> to vector<2048xf32>
    %broadcast_in_dim3A_53 = vector.shape_cast %reduce_sum3A_52 : vector<2048xf32> to vector<2048x1xf32>
    %add3A = arith.addf %broadcast_in_dim3A_47, %broadcast_in_dim3A_53 : vector<2048x1xf32>
    %add3A_54 = arith.addf %add3A, %mul3A_36 : vector<2048x1xf32>
    %add3A_55 = arith.addf %add3A_54, %broadcast_in_dim3A : vector<2048x1xf32>
    %neg3A = arith.constant 0.000000e+00 : f32
    %neg3A_56 = vector.broadcast %neg3A : f32 to vector<2048x1xf32>
    %neg3A_57 = arith.subf %neg3A_56, %add3A_55 : vector<2048x1xf32>
    %exp3A = math.exp %neg3A_57 : vector<2048x1xf32>
    %add3A_58 = arith.constant 1.000000e+00 : f32
    %add3A_59 = vector.broadcast %add3A_58 : f32 to vector<2048x1xf32>
    %add3A_60 = arith.addf %add3A_59, %exp3A : vector<2048x1xf32>
    %div3A = arith.constant 1.000000e+00 : f32
    %div3A_61 = vector.broadcast %div3A : f32 to vector<2048x1xf32>
    %div3A_62 = arith.divf %div3A_61, %add3A_60 : vector<2048x1xf32>
    %swap3A = arith.constant 0 : index
    %swap3A_63 = arith.constant 0 : index
    %swap3A_64 = vector.load %arg9[%swap3A, %swap3A_63] : memref<2048x1xf32, #tpu.memory_space<vmem>>, vector<2048x1xf32>
    tpu.vector_store %arg9[%swap3A, %swap3A_63], %div3A_62 {strides = array<i32>} : memref<2048x1xf32, #tpu.memory_space<vmem>>, vector<2048x1xf32>,
    return
  }
  func.func @transform_0(%arg0: i32) -> (i32, i32) {
    %c0_i32 = arith.constant 0 : i32
    %c0_i32_0 = arith.constant 0 : i32
    return %arg0, %c0_i32 : i32, i32
  }
  func.func @transform_1(%arg0: i32) -> (i32, i32) {
    %c0_i32 = arith.constant 0 : i32
    %c0_i32_0 = arith.constant 0 : i32
    return %arg0, %c0_i32 : i32, i32
  }
  func.func @transform_2(%arg0: i32) -> (i32, i32) {
    %c0_i32 = arith.constant 0 : i32
    %c0_i32_0 = arith.constant 0 : i32
    return %arg0, %c0_i32 : i32, i32
  }
  func.func @transform_3(%arg0: i32) -> (i32, i32) {
    %c0_i32 = arith.constant 0 : i32
    %c0_i32_0 = arith.constant 0 : i32
    %c0_i32_1 = arith.constant 0 : i32
    return %c0_i32, %c0_i32_0 : i32, i32
  }
  func.func @transform_4(%arg0: i32) -> (i32, i32) {
    %c0_i32 = arith.constant 0 : i32
    %c0_i32_0 = arith.constant 0 : i32
    %c0_i32_1 = arith.constant 0 : i32
    return %c0_i32, %c0_i32_0 : i32, i32
  }
  func.func @transform_5(%arg0: i32) -> (i32, i32) {
    %c0_i32 = arith.constant 0 : i32
    %c0_i32_0 = arith.constant 0 : i32
    %c0_i32_1 = arith.constant 0 : i32
    return %c0_i32, %c0_i32_0 : i32, i32
  }
  func.func @transform_6(%arg0: i32) -> (i32, i32) {
    %c0_i32 = arith.constant 0 : i32
    %c0_i32_0 = arith.constant 0 : i32
    %c0_i32_1 = arith.constant 0 : i32
    return %c0_i32, %c0_i32_0 : i32, i32
  }
  func.func @transform_7(%arg0: i32) -> (i32, i32) {
    %c0_i32 = arith.constant 0 : i32
    %c0_i32_0 = arith.constant 0 : i32
    %c0_i32_1 = arith.constant 0 : i32
    return %c0_i32, %c0_i32_0 : i32, i32
  }
  func.func @transform_8(%arg0: i32) -> (i32, i32) {
    %c0_i32 = arith.constant 0 : i32
    %c0_i32_0 = arith.constant 0 : i32
    return %arg0, %c0_i32 : i32, i32
  }
}

</mosaic_0001>

<sc_bundles>
// kernel: kernel.6.cloned.1.call-start
scs
__scs_entry_jumppad:
0x0: {  	(pc) =	sbr.rel $0x88, $3  }
0x1: {  	(tag) =	ssettag $0x0;
	lr =	simm.s32 $0x1  }
0x2: {  	[smem:$0x3F99] =	sst lr;
	_ =	strace $0xD0000000  }
0x3: {  	_ = 	snop  }
0x4: {  	_ = 	snop  }
0x5: {  	_ = 	snop  }
0x6: {  	_ = 	snop  }
0x7: {  	_ = 	snop  }
__scs_overlays_trampoline_lowered:
0x8: {  	[smem:$0x3FA8] =	sst s0  }
0x9: {  	[smem:$0x3FA9] =	sst s1  }
0xa: {  	[smem:$0x3FAA] =	sst s2  }
0xb: {  	[smem:$0x3FAB] =	sst s3  }
0xc: {  	[smem:$0x3FAC] =	sst s4  }
0xd: {  	[smem:$0x3FAD] =	sst s5  }
0xe: {  	[smem:$0x3FAE] =	sst s6  }
0xf: {  	[smem:$0x3FAF] =	sst s7  }
0x10: {  	[smem:$0x3FB0] =	sst s8  }
0x11: {  	[smem:$0x3FB1] =	sst s9;
	s0 =	simm.s32 @!p0 $0x0  }
0x12: {  	s1 =	sld [smem:$0x3F97];
	s0 =	simm.s32 @p0 $0x1  }
0x13: {  	[smem:$0x3FB2] =	sst s0;
	s0 =	simm.s32 @!p1 $0x0  }
0x14: {  	s2 =	sld [smem:$0x3F96];
	s0 =	simm.s32 @p1 $0x1  }
0x15: {  	[smem:$0x3FB3] =	sst s0;
	s0 =	simm.s32 @!p2 $0x0  }
0x16: {  	s3 =	sld [smem:$0x3FDB];
	s0 =	simm.s32 @p2 $0x1  }
0x17: {  	s4 =	simm.s32 $0x1BF5;
	[smem:$0x3FB5] =	sst s0  }
0x18: {  	s0 =	sld [smem:$0x3F98];
	_ =	swait.ge [sflag:s4], $0x0  }
0x19: {  	s7 =	sld [smem:$0x3F99]  }
0x1a: {  	s8 =	sadd.s32 $0xFFFFE003, lr  }
0x1b: {  	s9 =	sadd.s32 $0xFFFFFEF7, lr;
	s5 =	simm.s32 $0xFFFFFFFF;
	p2 =	slt.u32 s8, $0xFFFFF086  }
0x1c: {  	p1 =	slt.u32 s9, $0xF7A;
	s5 =	simm.s32 @!p2 $0x0  }
0x1d: {  	s5 =	simm.s32 @p1 $0x1;
	p0 =	seq.s32 s7, s2  }
0x1e: {  	s7 =	smul.u32 @!p0 $0xF7A, s2;
	p2 =	seq.s32 @!p0 s5, $0x0  }
0x1f: {  	s9 =	smul.u32 $0xF7A, s1;
	s8 =	simm.s32 @!p0 $0x1BF5;
	p2 =	por !p2, p0  }
0x20: {  	[sflag:s8] =	ssyncset.s32 @!p0 $0xFFFFF086;
	s6 =	sadd.s32 @!p0 s3, s7;
	s7 =	simm.s32 @!p0 $0x108  }
0x21: {  	s3 =	sadd.s32 s3, s9;
	s6 =	sadd.s32 @!p0 $0x88, s6;
	s7 =	simm.s32 @p2 $0x1082  }
0x22: {  	[simem:s7], [sflag:s8] =	dma.local @!p0 [hbm:s6], $0xF7A  }
0x23: {  	s9 =	sor.u32 $0xD0000000, s2;
	s6 =	simm.s32 $0x108;
	_ =	swait.ge @!p0 [sflag:s8], $0x0  }
0x24: {  	s3 =	sadd.s32 $0x88, s3;
	s6 =	simm.s32 @!p1 $0x1082;
	[sflag:s4] =	ssyncset.s32 $0xFFFFF086  }
0x25: {  	[simem:s6], [sflag:s4] =	dma.local [hbm:s3], $0xF7A  }
0x26: {  	[smem:$0x3F99] =	sst s1;
	(tag) =	ssettag s2;
	_ =	strace s9  }
0x27: {  	s1 =	sld [smem:$0x3FA9]  }
0x28: {  	s2 =	sld [smem:$0x3FAA]  }
0x29: {  	s4 =	sld [smem:$0x3FAC]  }
0x2a: {  	p0 =	seq.s32 s5, $0x0;
	s5 =	sld [smem:$0x3FAD]  }
0x2b: {  	s6 =	sld [smem:$0x3FAE]  }
0x2c: {  	s7 =	sld [smem:$0x3FAF]  }
0x2d: {  	s3 =	simm.s32 $0x108;
	s8 =	sld [smem:$0x3FB0]  }
0x2e: {  	s3 =	simm.s32 @!p0 $0x1082;
	s9 =	sld [smem:$0x3FB1]  }
0x2f: {  	lr =	sadd.s32 s0, s3;
	s0 =	sld [smem:$0x3FA8]  }
0x30: {  	s3 =	sld [smem:$0x3FAB]  }
0x31: {  	[smem:$0x3FB4] =	sst s10  }
0x32: {  	s10 =	sld [smem:$0x3FB2];
	_ =	sdelay $0x3  }
0x33: {  	p0 =	seq.s32 s10, $0x1;
	s10 =	sld [smem:$0x3FB4];
	_ =	sdelay $0x3  }
0x34: {  	[smem:$0x3FB4] =	sst s10  }
0x35: {  	s10 =	sld [smem:$0x3FB3];
	_ =	sdelay $0x3  }
0x36: {  	p1 =	seq.s32 s10, $0x1;
	s10 =	sld [smem:$0x3FB4];
	_ =	sdelay $0x3  }
0x37: {  	[smem:$0x3FB4] =	sst s10  }
0x38: {  	s10 =	sld [smem:$0x3FB5]  }
0x39: {  	_ = 	snop;
	(pc) =	sbr.ind lr, $3  }
0x3a: {  	_ = 	snop  }
0x3b: {  	_ = 	snop  }
0x3c: {  	p2 =	seq.s32 s10, $0x1;
	s10 =	sld [smem:$0x3FB4]  }
0x3d: {  	_ =	shalt  }
0x3e: {  	_ =	shalt  }
0x3f: {  	_ =	shalt  }
0x40: {  	_ =	shalt  }
0x41: {  	_ =	shalt  }
0x42: {  	_ =	shalt  }
0x43: {  	_ =	shalt  }
0x44: {  	_ =	shalt  }
0x45: {  	_ =	shalt  }
0x46: {  	_ =	shalt  }
0x47: {  	_ =	shalt  }
0x48: {  	_ =	shalt  }
0x49: {  	_ =	shalt  }
0x4a: {  	_ =	shalt  }
0x4b: {  	_ =	shalt  }
0x4c: {  	_ =	shalt  }
0x4d: {  	_ =	shalt  }
0x4e: {  	_ =	shalt  }
0x4f: {  	_ =	shalt  }
0x50: {  	_ =	shalt  }
0x51: {  	_ =	shalt  }
0x52: {  	_ =	shalt  }
0x53: {  	_ =	shalt  }
0x54: {  	_ =	shalt  }
0x55: {  	_ =	shalt  }
0x56: {  	_ =	shalt  }
0x57: {  	_ =	shalt  }
0x58: {  	_ =	shalt  }
0x59: {  	_ =	shalt  }
0x5a: {  	_ =	shalt  }
0x5b: {  	_ =	shalt  }
0x5c: {  	_ =	shalt  }
0x5d: {  	_ =	shalt  }
0x5e: {  	_ =	shalt  }
0x5f: {  	_ =	shalt  }
0x60: {  	_ =	shalt  }
0x61: {  	_ =	shalt  }
0x62: {  	_ =	shalt  }
0x63: {  	_ =	shalt  }
0x64: {  	_ =	shalt  }
0x65: {  	_ =	shalt  }
0x66: {  	_ =	shalt  }
0x67: {  	_ =	shalt  }
0x68: {  	_ =	shalt  }
0x69: {  	_ =	shalt  }
0x6a: {  	_ =	shalt  }
0x6b: {  	_ =	shalt  }
0x6c: {  	_ =	shalt  }
0x6d: {  	_ =	shalt  }
0x6e: {  	_ =	shalt  }
0x6f: {  	_ =	shalt  }
0x70: {  	_ =	shalt  }
0x71: {  	_ =	shalt  }
0x72: {  	_ =	shalt  }
0x73: {  	_ =	shalt  }
0x74: {  	_ =	shalt  }
0x75: {  	_ =	shalt  }
0x76: {  	_ =	shalt  }
0x77: {  	_ =	shalt  }
0x78: {  	_ =	shalt  }
0x79: {  	_ =	shalt  }
0x7a: {  	_ =	shalt  }
0x7b: {  	_ =	shalt  }
0x7c: {  	_ =	shalt  }
0x7d: {  	_ =	shalt  }
0x7e: {  	_ =	shalt  }
0x7f: {  	_ =	shalt  }
0x80: {  	_ =	shalt  }
0x81: {  	_ =	shalt  }
0x82: {  	_ =	shalt  }
0x83: {  	_ =	shalt  }
0x84: {  	_ =	shalt  }
0x85: {  	_ =	shalt  }
0x86: {  	_ =	shalt  }
0x87: {  	_ =	shalt  }
.Lfunc_end0:
.L_simem_size_0:
called_computation_lowered:
.L_overlay_start_0:
0x88: {  	s2 =	sld [smem:$0x3FD9]  }
0x89: {  	s3 =	sld [smem:$0x3FFE];
	_ =	sdelay $0x1  }
0x8a: {  	s1 =	srdreg.scid  }
0x8b: {  	s0 =	sand.u32 $0x1, s1  }
0x8c: {  	s17 =	sshll.u32 s0, $0xA;
	s2 =	sadd.s32 s3, s2  }
0x8d: {  	s2 =	sadd.s32 s2, s17  }
0x8e: {  	[smem:$0x3FC0] =	sst s2  }
0x8f: {  	_ = 	snop  }
0x90: {  	s2 =	sld [smem:$0x3FD0];
	(tm) =	ssettm $0x1  }
0x91: {  	s18 =	sld [smem:$0x3FFB];
	_ =	sdelay $0x3  }
0x92: {  	_ =	strace s18  }
0x93: {  	s3 =	sld [smem:$0x3FFC];
	_ =	sdelay $0x3  }
0x94: {  	_ =	strace s3  }
0x95: {  	s3 =	sld [smem:$0x3FFD];
	_ =	sdelay $0x3  }
0x96: {  	_ =	strace s3  }
0x97: {  	_ =	strace $0x8FFFFFFF  }
0x98: {  	s19 =	sld [smem:$0x3FDB];
	_ =	sdelay $0x1  }
0x99: {  	s4 =	simm.s32 $_scs_section_size  }
0x9a: {  	s5 =	simm.s32 $_size__tile_overlayer_lowered;
	s6 =	simm.s32 $_tile_overlayer_lowered  }
0x9b: {  	s22 =	simm.s32 $0x1BFF;
	s21 =	sshll.u32 s6, $0x1;
	s3 =	sadd.s32 s4, s19  }
0x9c: {  	s7 =	simm.s32 $0x0;
	s20 =	sshll.u32 s5, $0x1;
	s5 =	sadd.s32 s21, s3  }
0x9d: {  	[timem:s7], [sflag:s22] =	dma.local [hbm:s5], s20  }
0x9e: {  	_ =	swait.ge [sflag:s22], s20  }
0x9f: {  	s4 =	ssub.s32 $0x0, s20;
	[sflag:s22] =	ssyncset.done $0x0  }
0xa0: {  	[sflag:s22] =	ssyncadd.s32 s4;
	_ =	sdelay $0x1  }
0xa1: {  	s23 =	simm.s32 $0x1B8B  }
0xa2: {  	_ =	swait.ge [sflag:s23], $0x1  }
0xa3: {  	[sflag:s23] =	ssyncset.done $0x0  }
0xa4: {  	s25 =	simm.s32 $0x1B8E;
	s24 =	sld [smem:$0x3FFE];
	[sflag:s23] =	ssyncadd.s32 $0xFFFFFFFF  }
0xa5: {  	s26 =	simm.s32 $execute0_lowered;
	[smem:$0x3FD2] =	sst s25  }
0xa6: {  	s5 =	sshll.u32 s26, $0x1;
	_ =	strace $0x80000046;
	[dreg:$0x1] =	wrdreg $0xFFFFFFFF  }
0xa7: {  	s28 =	simm.s32 $_size_execute0_lowered;
	s3 =	sadd.s32 s3, s5;
	[dreg:$0x0] =	wrdreg $0x0  }
0xa8: {  	s5 =	sshll.u32 s28, $0x1;
	[dreg:$0x2] =	wrdreg s3  }
0xa9: {  	[dreg:$0x3] =	wrdreg s5  }
0xaa: {  	[dreg:$0x4] =	wrdreg $0xC0  }
0xab: {  	_ =	task [dreg:s7], $0x5FFFF  }
0xac: {  	[dreg:$0x1] =	wrdreg $0xFFFFFFFF  }
0xad: {  	[dreg:$0x0] =	wrdreg $0x60  }
0xae: {  	[dreg:$0x2] =	wrdreg s24  }
0xaf: {  	[dreg:$0x3] =	wrdreg s2  }
0xb0: {  	[dreg:$0x4] =	wrdreg $0x1D4000  }
0xb1: {  	[dreg:$0x5] =	wrdreg $0x1E6D80  }
0xb2: {  	[dreg:$0x6] =	wrdreg $0x9  }
0xb3: {  	_ =	task.clear_ibuf [dreg:s7], $0x7FFFF;
	_ =	strace $0x90000046  }
0xb4: {  	s29 =	simm.s32 $0x9;
	_ =	strace $0x80000048  }
0xb5: {  	_ =	swait.ge [sflag:s29], $0x1  }
0xb6: {  	[sflag:s29] =	ssyncadd.s32 $0xFFFFFFFF  }
0xb7: {  	_ =	strace $0x90000048  }
0xb8: {  	_ =	sfence  }
0xb9: {  	s30 =	sld [smem:$0x0];
	_ =	sdelay $0x2  }
0xba: {  	s31 =	sshll.u32 s1, $0xD;
	s1 =	sshrl.u32 s1, $0x2  }
0xbb: {  	s3 =	sand.u32 $0x4000, s31;
	s1 =	sadd.s32 s1, s30  }
0xbc: {  	s0 =	sor.u32 s3, s0;
	s1 =	sshll.u32 s1, $0x11  }
0xbd: {  	s0 =	sor.u32 s1, s0  }
0xbe: {  	s0 =	sadd.s32 $0x8F2B, s0  }
0xbf: {  	[sflag:s0] =	ssyncadd.remote.s32 $0x1  }
0xc0: {  	_ =	sfence.sel $0xFFFF  }
0xc1: {  	[dreg:$0x0] =	wrdreg $0xFFFFFFFF;
	(pc) =	sbr.abs _section_cstart, $3  }
0xc2: {  	[dreg:$0x1] =	wrdreg $0xFFFFFFFF  }
0xc3: {  	_ =	task.clear_ibuf [dreg:s7], $0x2FFFF;
	_ =	strace $0x9FFFFFFF  }
0xc4: {  	(tm) =	ssettm $0x7FFFFFFF  }
0xc5: {  	_ =	shalt  }
tec
execute0_lowered:
.L_overlay_start_1:
0x0: {  	(tag) =	ssettag $0x1  }
0x1: {  	s0 =	rddreg [dreg:$0x0]  }
0x2: {  	s1 =	rddreg [dreg:$0x1]  }
0x3: {  	s2 =	srdreg.scid;
	[dreg:$0x5] =	wrdreg s1  }
0x4: {  	s5 =	stileid.u32;
	s1 =	rddreg [dreg:$0x2];
	s4 =	sand.u32 $0x1, s2  }
0x5: {  	s3 =	sshll.u32 s5, $0x1;
	s2 =	rddreg [dreg:$0x3];
	s9 =	sadd.s32 $0x8C00, s0  }
0x6: {  	p0 =	sne.s32 s5, $0x0;
	s6 =	sor.u32 s4, s3;
	s3 =	simm.s32 $0x0  }
0x7: {  	s5 =	sshrl.u32 @!p0 s1, $0x3;
	s7 =	smul.u32 $0x1A00, s6;
	[smem:$0x7FF] =	sst s3  }
0x8: {  	s6 =	smul.u32 $0x3400, s6;
	_ =	strace $0x80000047;
	[dreg:$0x6] =	wrdreg s9  }
0x9: {  	s14 =	sadd.s32 $0xB200, s0;
	[dreg:$0x10] =	wrdreg s5  }
0xa: {  	s8 =	sshrl.u32 s7, $0x3;
	s6 =	sadd.s32 s14, s6;
	s15 =	sadd.s32 $0x680, s7  }
0xb: {  	s21 =	sadd.s32 $0xD00, s7;
	s7 =	sadd.s32 $0x1380, s7;
	s10 =	sadd.s32 s8, s0  }
0xc: {  	s0 =	sadd.s32 $0x73200, s0;
	[dreg:$0x8] =	wrdreg s6;
	s24 =	sshll.u32 s7, $0x1  }
0xd: {  	s26 =	sshrl.u32 s7, $0x3;
	s7 =	rddreg [dreg:$0x6];
	s10 =	sadd.s32 $0x2400, s10  }
0xe: {  	s17 =	sshll.u32 s15, $0x1;
	s16 =	sadd.s32 s0, s8;
	[dreg:$0x7] =	wrdreg s10  }
0xf: {  	s19 =	sshrl.u32 s15, $0x3;
	s18 =	sadd.s32 s14, s17;
	[dreg:$0x9] =	wrdreg s16  }
0x10: {  	s22 =	sshll.u32 s21, $0x1;
	s20 =	sadd.s32 s0, s19;
	[dreg:$0xa] =	wrdreg s18  }
0x11: {  	s6 =	sadd.s32 s14, s22;
	[dreg:$0xb] =	wrdreg s20  }
0x12: {  	s25 =	sadd.s32 s14, s24;
	[dreg:$0xc] =	wrdreg s6  }
0x13: {  	s8 =	sshrl.u32 s21, $0x3;
	[dreg:$0xe] =	wrdreg s25  }
0x14: {  	s23 =	sadd.s32 s0, s8;
	s6 =	rddreg [dreg:$0x10]  }
0x15: {  	s0 =	sadd.s32 s0, s26;
	[dreg:$0xd] =	wrdreg s23  }
0x16: {  	[dreg:$0xf] =	wrdreg s0;
	s0 =	sshrl.u32 @!p0 s2, $0x3  }
0x17: {  	s5 =	simm.s32 @!p0 $0x11;
	s8 =	simm.s32 @!p0 $0x1C11;
	[dreg:$0x11] =	wrdreg s0  }
0x18: {  	[spmem:s6], [sflag:s8] =	dma.local @!p0 [hbm:s7], $0x25B0  }
0x19: {  	_ =	swait.ge @!p0 [sflag:s5], $0x25B0  }
0x1a: {  	s0 =	rddreg [dreg:$0x5];
	[sflag:s5] =	ssyncset.done @!p0 $0x0  }
0x1b: {  	s6 =	rddreg [dreg:$0x11];
	[sflag:s5] =	ssyncadd.s32 @!p0 $0xFFFFDA50  }
0x1c: {  	[spmem:s6], [sflag:s8] =	dma.local @!p0 [hbm:s0], $0x25B  }
0x1d: {  	_ =	swait.ge @!p0 [sflag:s5], $0x25B  }
0x1e: {  	[sflag:s5] =	ssyncset.done @!p0 $0x0  }
0x1f: {  	s8 =	simm.s32 $0x11;
	s7 =	rddreg [dreg:$0x7];
	[sflag:s5] =	ssyncadd.s32 @!p0 $0xFFFFFDA5  }
0x20: {  	[tilespmem:s3], [sflag:$0x11] =	stream.linear.gather [hbm4b:s7+s3], $0x1A00, $0x38;
	[tilespmem:$0x1E808] =	vst v63  }
0x21: {  	_ =	swait.ge [sflag:s8], $0x1A00  }
0x22: {  	[sflag:s8] =	ssyncset.done $0x0  }
0x23: {  	[sflag:s8] =	ssyncadd.s32 $0xFFFFE600  }
0x24: {  	s9 =	simm.s32 $0x1A00;
	s7 =	simm.s32 $0x680;
	[bflag:$0x0] =	sbarrier.arrive $0xFFFF  }
0x25: {  	[tilespmem:s9], [sflag:$0x1] =	stream.indirect.gather [spmem:s1], $0x10, s3, s7, $0xb8;
	[tilespmem:$0x1E808] =	vst v63  }
0x26: {  	s10 =	simm.s32 $0x8200  }
0x27: {  	[tilespmem:s10], [sflag:$0x2] =	stream.indirect.gather [spmem:s1], $0x10, s7, s7, $0xb8;
	[tilespmem:$0x1E808] =	vst v63  }
0x28: {  	s17 =	simm.s32 $0xD00;
	s18 =	simm.s32 $0xEA00  }
0x29: {  	[tilespmem:s18], [sflag:$0x3] =	stream.indirect.gather [spmem:s1], $0x10, s17, s7, $0xb8;
	[tilespmem:$0x1E808] =	vst v63  }
0x2a: {  	s11 =	simm.s32 $0x1380;
	s12 =	simm.s32 $0x15200  }
0x2b: {  	[tilespmem:s12], [sflag:$0x4] =	stream.indirect.gather [spmem:s1], $0x10, s11, s7, $0xb8;
	[tilespmem:$0x1E808] =	vst v63  }
0x2c: {  	s13 =	simm.s32 $0x1BA00  }
0x2d: {  	[tilespmem:s13], [sflag:$0x5] =	stream.indirect.gather [spmem:s2], $0x1, s3, s7, $0xb8;
	[tilespmem:$0x1E808] =	vst v63  }
0x2e: {  	s14 =	simm.s32 $0x1C080  }
0x2f: {  	[tilespmem:s14], [sflag:$0x6] =	stream.indirect.gather [spmem:s2], $0x1, s7, s7, $0xb8;
	[tilespmem:$0x1E808] =	vst v63  }
0x30: {  	s24 =	simm.s32 $0x1C700  }
0x31: {  	[tilespmem:s24], [sflag:$0x7] =	stream.indirect.gather [spmem:s2], $0x1, s17, s7, $0xb8;
	[tilespmem:$0x1E808] =	vst v63  }
0x32: {  	s15 =	simm.s32 $0x1CD80;
	s16 =	simm.s32 $0x1  }
0x33: {  	[tilespmem:s15], [sflag:$0x8] =	stream.indirect.gather [spmem:s2], $0x1, s11, s7, $0xb8;
	[tilespmem:$0x1E808] =	vst v63  }
0x34: {  	_ =	swait.ge [sflag:s16], $0x6800  }
0x35: {  	[sflag:s16] =	ssyncset.done $0x0  }
0x36: {  	s19 =	simm.s32 $0x5;
	s25 =	rddreg [dreg:$0x8];
	[sflag:s16] =	ssyncadd.s32 $0xFFFF9800  }
0x37: {  	[hbm4b:s25+s3] =	stream.linear.scatter [tilespmem:s9], [sflag:$0x9], $0x6800, $0x38;
	[tilespmem:$0x1E808] =	vst v63  }
0x38: {  	_ =	swait.ge [sflag:s19], $0x680  }
0x39: {  	[sflag:s19] =	ssyncset.done $0x0  }
0x3a: {  	s20 =	simm.s32 $0x2;
	s26 =	rddreg [dreg:$0x9];
	[sflag:s19] =	ssyncadd.s32 $0xFFFFF980  }
0x3b: {  	[hbm4b:s26+s3] =	stream.linear.scatter [tilespmem:s13], [sflag:$0xD], $0x680, $0x38;
	[tilespmem:$0x1E808] =	vst v63  }
0x3c: {  	_ =	swait.ge [sflag:s20], $0x6800  }
0x3d: {  	[sflag:s20] =	ssyncset.done $0x0  }
0x3e: {  	s21 =	simm.s32 $0x6;
	s8 =	rddreg [dreg:$0xa];
	[sflag:s20] =	ssyncadd.s32 $0xFFFF9800  }
0x3f: {  	[hbm4b:s8+s3] =	stream.linear.scatter [tilespmem:s10], [sflag:$0xA], $0x6800, $0x38;
	[tilespmem:$0x1E808] =	vst v63  }
0x40: {  	_ =	swait.ge [sflag:s21], $0x680  }
0x41: {  	[sflag:s21] =	ssyncset.done $0x0  }
0x42: {  	s22 =	simm.s32 $0x3;
	s11 =	rddreg [dreg:$0xb];
	[sflag:s21] =	ssyncadd.s32 $0xFFFFF980  }
0x43: {  	[hbm4b:s11+s3] =	stream.linear.scatter [tilespmem:s14], [sflag:$0xE], $0x680, $0x38;
	[tilespmem:$0x1E808] =	vst v63  }
0x44: {  	_ =	swait.ge [sflag:s22], $0x6800  }
0x45: {  	[sflag:s22] =	ssyncset.done $0x0  }
0x46: {  	s23 =	simm.s32 $0x7;
	s13 =	rddreg [dreg:$0xc];
	[sflag:s22] =	ssyncadd.s32 $0xFFFF9800  }
0x47: {  	[hbm4b:s13+s3] =	stream.linear.scatter [tilespmem:s18], [sflag:$0xB], $0x6800, $0x38;
	[tilespmem:$0x1E808] =	vst v63  }
0x48: {  	_ =	swait.ge [sflag:s23], $0x680  }
0x49: {  	[sflag:s23] =	ssyncset.done $0x0  }
0x4a: {  	s14 =	rddreg [dreg:$0xd];
	[sflag:s23] =	ssyncadd.s32 $0xFFFFF980  }
0x4b: {  	[hbm4b:s14+s3] =	stream.linear.scatter [tilespmem:s24], [sflag:$0xF], $0x680, $0x38;
	[tilespmem:$0x1E808] =	vst v63  }
0x4c: {  	s24 =	simm.s32 $0x4  }
0x4d: {  	_ =	swait.ge [sflag:s24], $0x6800  }
0x4e: {  	[sflag:s24] =	ssyncset.done $0x0  }
0x4f: {  	s25 =	simm.s32 $0x8;
	s16 =	rddreg [dreg:$0xe];
	[sflag:s24] =	ssyncadd.s32 $0xFFFF9800  }
0x50: {  	[hbm4b:s16+s3] =	stream.linear.scatter [tilespmem:s12], [sflag:$0xC], $0x6800, $0x38;
	[tilespmem:$0x1E808] =	vst v63  }
0x51: {  	_ =	swait.ge [sflag:s25], $0x680  }
0x52: {  	[sflag:s25] =	ssyncset.done $0x0  }
0x53: {  	s26 =	simm.s32 $0x9;
	s17 =	rddreg [dreg:$0xf];
	[sflag:s25] =	ssyncadd.s32 $0xFFFFF980  }
0x54: {  	[hbm4b:s17+s3] =	stream.linear.scatter [tilespmem:s15], [sflag:$0x10], $0x680, $0x38;
	[tilespmem:$0x1E808] =	vst v63  }
0x55: {  	_ =	swait.ge [sflag:s26], $0x6800  }
0x56: {  	[sflag:s26] =	ssyncset.done $0x0  }
0x57: {  	s28 =	simm.s32 $0xD;
	[sflag:s26] =	ssyncadd.s32 $0xFFFF9800  }
0x58: {  	_ =	swait.ge [sflag:s28], $0x680  }
0x59: {  	[sflag:s28] =	ssyncset.done $0x0  }
0x5a: {  	s29 =	simm.s32 $0xA;
	[sflag:s28] =	ssyncadd.s32 $0xFFFFF980  }
0x5b: {  	_ =	swait.ge [sflag:s29], $0x6800  }
0x5c: {  	[sflag:s29] =	ssyncset.done $0x0  }
0x5d: {  	s30 =	simm.s32 $0xE;
	[sflag:s29] =	ssyncadd.s32 $0xFFFF9800  }
0x5e: {  	_ =	swait.ge [sflag:s30], $0x680  }
0x5f: {  	[sflag:s30] =	ssyncset.done $0x0  }
0x60: {  	s31 =	simm.s32 $0xB;
	s4 =	ssub.s32 $0x2, s4;
	[sflag:s30] =	ssyncadd.s32 $0xFFFFF980  }
0x61: {  	s18 =	sshrl.u32 s4, $0x1;
	_ =	swait.ge [sflag:s31], $0x6800  }
0x62: {  	s8 =	ssub.s32 s4, s18;
	[sflag:s31] =	ssyncset.done $0x0  }
0x63: {  	s0 =	simm.s32 $0xF;
	s8 =	smax.u32 s8, $0x1;
	[sflag:s31] =	ssyncadd.s32 $0xFFFF9800  }
0x64: {  	s8 =	sadd.s32 $0xFFFFFFFF, s8;
	_ =	swait.ge [sflag:s0], $0x680  }
0x65: {  	p1 =	sne.s32 s8, $0x0;
	[sflag:s0] =	ssyncset.done $0x0  }
.Ltmp0:
0x66: {  	s4 =	simm.s32 $0xC;
	[sflag:s0] =	ssyncadd.s32 $0xFFFFF980;
	(pc) =	sbr.rel @!p1 .LBB2_3-.Ltmp0, $4  }
0x67: {  	_ =	swait.ge [sflag:s4], $0x6800  }
0x68: {  	[sflag:s4] =	ssyncset.done $0x0  }
0x69: {  	s9 =	simm.s32 $0x10;
	[sflag:s4] =	ssyncadd.s32 $0xFFFF9800  }
0x6a: {  	_ =	swait.ge [sflag:s9], $0x680  }
0x6b: {  	s13 =	simm.s32 $0xEA00;
	s15 =	simm.s32 $0x15200  }
0x6c: {  	s16 =	simm.s32 $0x1BA00;
	s17 =	simm.s32 $0x1C080;
	s18 =	simm.s32 $0x1CD80  }
.LBB2_2:
0x6d: {  	s10 =	rddreg [dreg:$0x10];
	[sflag:s9] =	ssyncset.done $0x0  }
0x6e: {  	s11 =	rddreg [dreg:$0x6];
	s12 =	simm.s32 @!p0 $0x1C11;
	[sflag:s9] =	ssyncadd.s32 $0xFFFFF980  }
0x6f: {  	[spmem:s10], [sflag:s12] =	dma.local @!p0 [hbm:s11], $0x25B0  }
0x70: {  	_ =	swait.ge @!p0 [sflag:s5], $0x25B0  }
0x71: {  	[sflag:s5] =	ssyncset.done @!p0 $0x0;
	s10 =	rddreg [dreg:$0x5]  }
0x72: {  	s11 =	rddreg [dreg:$0x11];
	[sflag:s5] =	ssyncadd.s32 @!p0 $0xFFFFDA50  }
0x73: {  	[spmem:s11], [sflag:s12] =	dma.local @!p0 [hbm:s10], $0x25B  }
0x74: {  	_ =	swait.ge @!p0 [sflag:s5], $0x25B  }
0x75: {  	[sflag:s5] =	ssyncset.done @!p0 $0x0  }
0x76: {  	s6 =	simm.s32 $0x11;
	s12 =	rddreg [dreg:$0x7];
	[sflag:s5] =	ssyncadd.s32 @!p0 $0xFFFFFDA5  }
0x77: {  	[tilespmem:s3], [sflag:$0x11] =	stream.linear.gather [hbm4b:s12+s3], $0x1A00, $0x38;
	[tilespmem:$0x1E808] =	vst v63  }
0x78: {  	_ =	swait.ge [sflag:s6], $0x1A00  }
0x79: {  	[sflag:s6] =	ssyncset.done $0x0  }
0x7a: {  	[sflag:s6] =	ssyncadd.s32 $0xFFFFE600  }
0x7b: {  	s11 =	simm.s32 $0x1A00;
	[bflag:$0x0] =	sbarrier.arrive $0xFFFF  }
0x7c: {  	[tilespmem:s11], [sflag:$0x1] =	stream.indirect.gather [spmem:s1], $0x10, s3, s7, $0xb8;
	[tilespmem:$0x1E808] =	vst v63  }
0x7d: {  	s12 =	simm.s32 $0x8200  }
0x7e: {  	[tilespmem:s12], [sflag:$0x2] =	stream.indirect.gather [spmem:s1], $0x10, s7, s7, $0xb8;
	[tilespmem:$0x1E808] =	vst v63  }
0x7f: {  	s10 =	simm.s32 $0xD00  }
0x80: {  	[tilespmem:s13], [sflag:$0x3] =	stream.indirect.gather [spmem:s1], $0x10, s10, s7, $0xb8;
	[tilespmem:$0x1E808] =	vst v63  }
0x81: {  	s14 =	simm.s32 $0x1380  }
0x82: {  	[tilespmem:s15], [sflag:$0x4] =	stream.indirect.gather [spmem:s1], $0x10, s14, s7, $0xb8;
	[tilespmem:$0x1E808] =	vst v63  }
0x83: {  	_ = 	snop  }
0x84: {  	[tilespmem:s16], [sflag:$0x5] =	stream.indirect.gather [spmem:s2], $0x1, s3, s7, $0xb8;
	[tilespmem:$0x1E808] =	vst v63  }
0x85: {  	_ = 	snop  }
0x86: {  	[tilespmem:s17], [sflag:$0x6] =	stream.indirect.gather [spmem:s2], $0x1, s7, s7, $0xb8;
	[tilespmem:$0x1E808] =	vst v63  }
0x87: {  	s6 =	simm.s32 $0x1C700  }
0x88: {  	[tilespmem:s6], [sflag:$0x7] =	stream.indirect.gather [spmem:s2], $0x1, s10, s7, $0xb8;
	[tilespmem:$0x1E808] =	vst v63  }
0x89: {  	_ = 	snop  }
0x8a: {  	[tilespmem:s18], [sflag:$0x8] =	stream.indirect.gather [spmem:s2], $0x1, s14, s7, $0xb8;
	[tilespmem:$0x1E808] =	vst v63  }
0x8b: {  	s14 =	simm.s32 $0x1  }
0x8c: {  	_ =	swait.ge [sflag:s14], $0x6800  }
0x8d: {  	[sflag:s14] =	ssyncset.done $0x0  }
0x8e: {  	s10 =	rddreg [dreg:$0x8];
	[sflag:s14] =	ssyncadd.s32 $0xFFFF9800  }
0x8f: {  	[hbm4b:s10+s3] =	stream.linear.scatter [tilespmem:s11], [sflag:$0x9], $0x6800, $0x38;
	[tilespmem:$0x1E808] =	vst v63  }
0x90: {  	_ =	swait.ge [sflag:s19], $0x680  }
0x91: {  	[sflag:s19] =	ssyncset.done $0x0  }
0x92: {  	s14 =	rddreg [dreg:$0x9];
	[sflag:s19] =	ssyncadd.s32 $0xFFFFF980  }
0x93: {  	[hbm4b:s14+s3] =	stream.linear.scatter [tilespmem:s16], [sflag:$0xD], $0x680, $0x38;
	[tilespmem:$0x1E808] =	vst v63  }
0x94: {  	_ =	swait.ge [sflag:s20], $0x6800  }
0x95: {  	[sflag:s20] =	ssyncset.done $0x0  }
0x96: {  	s11 =	rddreg [dreg:$0xa];
	[sflag:s20] =	ssyncadd.s32 $0xFFFF9800  }
0x97: {  	[hbm4b:s11+s3] =	stream.linear.scatter [tilespmem:s12], [sflag:$0xA], $0x6800, $0x38;
	[tilespmem:$0x1E808] =	vst v63  }
0x98: {  	_ =	swait.ge [sflag:s21], $0x680  }
0x99: {  	[sflag:s21] =	ssyncset.done $0x0  }
0x9a: {  	s12 =	rddreg [dreg:$0xb];
	[sflag:s21] =	ssyncadd.s32 $0xFFFFF980  }
0x9b: {  	[hbm4b:s12+s3] =	stream.linear.scatter [tilespmem:s17], [sflag:$0xE], $0x680, $0x38;
	[tilespmem:$0x1E808] =	vst v63  }
0x9c: {  	_ =	swait.ge [sflag:s22], $0x6800  }
0x9d: {  	[sflag:s22] =	ssyncset.done $0x0  }
0x9e: {  	s14 =	rddreg [dreg:$0xc];
	[sflag:s22] =	ssyncadd.s32 $0xFFFF9800  }
0x9f: {  	[hbm4b:s14+s3] =	stream.linear.scatter [tilespmem:s13], [sflag:$0xB], $0x6800, $0x38;
	[tilespmem:$0x1E808] =	vst v63  }
0xa0: {  	_ =	swait.ge [sflag:s23], $0x680  }
0xa1: {  	[sflag:s23] =	ssyncset.done $0x0  }
0xa2: {  	s11 =	rddreg [dreg:$0xd];
	[sflag:s23] =	ssyncadd.s32 $0xFFFFF980  }
0xa3: {  	[hbm4b:s11+s3] =	stream.linear.scatter [tilespmem:s6], [sflag:$0xF], $0x680, $0x38;
	[tilespmem:$0x1E808] =	vst v63  }
0xa4: {  	_ =	swait.ge [sflag:s24], $0x6800  }
0xa5: {  	[sflag:s24] =	ssyncset.done $0x0  }
0xa6: {  	s12 =	rddreg [dreg:$0xe];
	[sflag:s24] =	ssyncadd.s32 $0xFFFF9800  }
0xa7: {  	[hbm4b:s12+s3] =	stream.linear.scatter [tilespmem:s15], [sflag:$0xC], $0x6800, $0x38;
	[tilespmem:$0x1E808] =	vst v63  }
0xa8: {  	_ =	swait.ge [sflag:s25], $0x680  }
0xa9: {  	[sflag:s25] =	ssyncset.done $0x0  }
0xaa: {  	s14 =	rddreg [dreg:$0xf];
	[sflag:s25] =	ssyncadd.s32 $0xFFFFF980  }
0xab: {  	[hbm4b:s14+s3] =	stream.linear.scatter [tilespmem:s18], [sflag:$0x10], $0x680, $0x38;
	[tilespmem:$0x1E808] =	vst v63  }
0xac: {  	_ =	swait.ge [sflag:s26], $0x6800  }
0xad: {  	[sflag:s26] =	ssyncset.done $0x0  }
0xae: {  	[sflag:s26] =	ssyncadd.s32 $0xFFFF9800  }
0xaf: {  	_ =	swait.ge [sflag:s28], $0x680  }
0xb0: {  	[sflag:s28] =	ssyncset.done $0x0  }
0xb1: {  	[sflag:s28] =	ssyncadd.s32 $0xFFFFF980  }
0xb2: {  	_ =	swait.ge [sflag:s29], $0x6800  }
0xb3: {  	[sflag:s29] =	ssyncset.done $0x0  }
0xb4: {  	[sflag:s29] =	ssyncadd.s32 $0xFFFF9800  }
0xb5: {  	_ =	swait.ge [sflag:s30], $0x680  }
0xb6: {  	[sflag:s30] =	ssyncset.done $0x0  }
0xb7: {  	[sflag:s30] =	ssyncadd.s32 $0xFFFFF980  }
0xb8: {  	_ =	swait.ge [sflag:s31], $0x6800  }
0xb9: {  	[sflag:s31] =	ssyncset.done $0x0  }
0xba: {  	[sflag:s31] =	ssyncadd.s32 $0xFFFF9800  }
0xbb: {  	s8 =	sadd.s32 $0xFFFFFFFF, s8;
	_ =	swait.ge [sflag:s0], $0x680  }
0xbc: {  	p1 =	sne.s32 s8, $0x0;
	[sflag:s0] =	ssyncset.done $0x0  }
.Ltmp1:
0xbd: {  	[sflag:s0] =	ssyncadd.s32 $0xFFFFF980;
	(pc) =	sbr.rel @p1 .LBB2_2-.Ltmp1, $4  }
0xbe: {  	_ =	swait.ge [sflag:s4], $0x6800  }
0xbf: {  	[sflag:s4] =	ssyncset.done $0x0  }
0xc0: {  	[sflag:s4] =	ssyncadd.s32 $0xFFFF9800  }
0xc1: {  	_ =	swait.ge [sflag:s9], $0x680  }
.LBB2_3:
0xc2: {  	[sflag:s9] =	ssyncset.done $0x0  }
0xc3: {  	[sflag:s9] =	ssyncadd.s32 $0xFFFFF980  }
0xc4: {  	_ =	sfence.sel $0x180000  }
0xc5: {  	[bflag:$0x0] =	sbarrier.arrive $0xFFFF  }
0xc6: {  	_ =	strace $0x90000047  }
0xc7: {  	[bflag:$0x2] =	sbarrier.arrive $0xFFFF  }
0xc8: {  	s0 =	rddreg [dreg:$0x4]  }
0xc9: {  	s0 =	sadd.s32 @!p0 $0x100000, s0  }
0xca: {  	[sflag:s0] =	ssyncadd.tile.s32 @!p0 $0x1;
	_ =	shalt  }
.Lfunc_end2:
_tile_overlayer_lowered:
.L_overlay_start_2:
0xcb: {  	(tag) =	ssettag $0x2  }
0xcc: {  	s0 =	rddreg [dreg:$0x0];
	s2 =	stileid.u32  }
0xcd: {  	s1 =	rddreg [dreg:$0x1];
	p0 =	sne.s32 s2, $0x0  }
0xce: {  	s3 =	rddreg [dreg:$0x2];
	[bflag:$0x3] =	sbarrier.arrive $0xFFFF;
	s2 =	simm.s32 @!p0 $0x1C11  }
0xcf: {  	[timem:s3], [sflag:s2] =	dma.local @!p0 [hbm:s0], s1  }
0xd0: {  	s0 =	simm.s32 @!p0 $0x11  }
0xd1: {  	_ =	swait.ge @!p0 [sflag:s0], s1  }
0xd2: {  	s1 =	ssub.s32 @!p0 $0x0, s1;
	[sflag:s0] =	ssyncset.done @!p0 $0x0  }
0xd3: {  	[sflag:s0] =	ssyncadd.s32 @!p0 s1  }
0xd4: {  	[bflag:$0x3] =	sbarrier.arrive $0xFFFF  }
0xd5: {  	_ =	shalt  }

// kernel: kernel.9.cloned.1.call-start
scs
__scs_entry_jumppad:
0x0: {  	(pc) =	sbr.rel $0x88, $3  }
0x1: {  	(tag) =	ssettag $0x0;
	lr =	simm.s32 $0x1  }
0x2: {  	[smem:$0x3F99] =	sst lr;
	_ =	strace $0xD0000000  }
0x3: {  	_ = 	snop  }
0x4: {  	_ = 	snop  }
0x5: {  	_ = 	snop  }
0x6: {  	_ = 	snop  }
0x7: {  	_ = 	snop  }
__scs_overlays_trampoline_lowered:
0x8: {  	[smem:$0x3FA8] =	sst s0  }
0x9: {  	[smem:$0x3FA9] =	sst s1  }
0xa: {  	[smem:$0x3FAA] =	sst s2  }
0xb: {  	[smem:$0x3FAB] =	sst s3  }
0xc: {  	[smem:$0x3FAC] =	sst s4  }
0xd: {  	[smem:$0x3FAD] =	sst s5  }
0xe: {  	[smem:$0x3FAE] =	sst s6  }
0xf: {  	[smem:$0x3FAF] =	sst s7  }
0x10: {  	[smem:$0x3FB0] =	sst s8  }
0x11: {  	[smem:$0x3FB1] =	sst s9;
	s0 =	simm.s32 @!p0 $0x0  }
0x12: {  	s1 =	sld [smem:$0x3F97];
	s0 =	simm.s32 @p0 $0x1  }
0x13: {  	[smem:$0x3FB2] =	sst s0;
	s0 =	simm.s32 @!p1 $0x0  }
0x14: {  	s2 =	sld [smem:$0x3F96];
	s0 =	simm.s32 @p1 $0x1  }
0x15: {  	[smem:$0x3FB3] =	sst s0;
	s0 =	simm.s32 @!p2 $0x0  }
0x16: {  	s3 =	sld [smem:$0x3FDB];
	s0 =	simm.s32 @p2 $0x1  }
0x17: {  	s4 =	simm.s32 $0x1BF5;
	[smem:$0x3FB5] =	sst s0  }
0x18: {  	s0 =	sld [smem:$0x3F98];
	_ =	swait.ge [sflag:s4], $0x0  }
0x19: {  	s7 =	sld [smem:$0x3F99]  }
0x1a: {  	s8 =	sadd.s32 $0xFFFFE003, lr  }
0x1b: {  	s9 =	sadd.s32 $0xFFFFFEF7, lr;
	s5 =	simm.s32 $0xFFFFFFFF;
	p2 =	slt.u32 s8, $0xFFFFF086  }
0x1c: {  	p1 =	slt.u32 s9, $0xF7A;
	s5 =	simm.s32 @!p2 $0x0  }
0x1d: {  	s5 =	simm.s32 @p1 $0x1;
	p0 =	seq.s32 s7, s2  }
0x1e: {  	s7 =	smul.u32 @!p0 $0xF7A, s2;
	p2 =	seq.s32 @!p0 s5, $0x0  }
0x1f: {  	s9 =	smul.u32 $0xF7A, s1;
	s8 =	simm.s32 @!p0 $0x1BF5;
	p2 =	por !p2, p0  }
0x20: {  	[sflag:s8] =	ssyncset.s32 @!p0 $0xFFFFF086;
	s6 =	sadd.s32 @!p0 s3, s7;
	s7 =	simm.s32 @!p0 $0x108  }
0x21: {  	s3 =	sadd.s32 s3, s9;
	s6 =	sadd.s32 @!p0 $0x88, s6;
	s7 =	simm.s32 @p2 $0x1082  }
0x22: {  	[simem:s7], [sflag:s8] =	dma.local @!p0 [hbm:s6], $0xF7A  }
0x23: {  	s9 =	sor.u32 $0xD0000000, s2;
	s6 =	simm.s32 $0x108;
	_ =	swait.ge @!p0 [sflag:s8], $0x0  }
0x24: {  	s3 =	sadd.s32 $0x88, s3;
	s6 =	simm.s32 @!p1 $0x1082;
	[sflag:s4] =	ssyncset.s32 $0xFFFFF086  }
0x25: {  	[simem:s6], [sflag:s4] =	dma.local [hbm:s3], $0xF7A  }
0x26: {  	[smem:$0x3F99] =	sst s1;
	(tag) =	ssettag s2;
	_ =	strace s9  }
0x27: {  	s1 =	sld [smem:$0x3FA9]  }
0x28: {  	s2 =	sld [smem:$0x3FAA]  }
0x29: {  	s4 =	sld [smem:$0x3FAC]  }
0x2a: {  	p0 =	seq.s32 s5, $0x0;
	s5 =	sld [smem:$0x3FAD]  }
0x2b: {  	s6 =	sld [smem:$0x3FAE]  }
0x2c: {  	s7 =	sld [smem:$0x3FAF]  }
0x2d: {  	s3 =	simm.s32 $0x108;
	s8 =	sld [smem:$0x3FB0]  }
0x2e: {  	s3 =	simm.s32 @!p0 $0x1082;
	s9 =	sld [smem:$0x3FB1]  }
0x2f: {  	lr =	sadd.s32 s0, s3;
	s0 =	sld [smem:$0x3FA8]  }
0x30: {  	s3 =	sld [smem:$0x3FAB]  }
0x31: {  	[smem:$0x3FB4] =	sst s10  }
0x32: {  	s10 =	sld [smem:$0x3FB2];
	_ =	sdelay $0x3  }
0x33: {  	p0 =	seq.s32 s10, $0x1;
	s10 =	sld [smem:$0x3FB4];
	_ =	sdelay $0x3  }
0x34: {  	[smem:$0x3FB4] =	sst s10  }
0x35: {  	s10 =	sld [smem:$0x3FB3];
	_ =	sdelay $0x3  }
0x36: {  	p1 =	seq.s32 s10, $0x1;
	s10 =	sld [smem:$0x3FB4];
	_ =	sdelay $0x3  }
0x37: {  	[smem:$0x3FB4] =	sst s10  }
0x38: {  	s10 =	sld [smem:$0x3FB5]  }
0x39: {  	_ = 	snop;
	(pc) =	sbr.ind lr, $3  }
0x3a: {  	_ = 	snop  }
0x3b: {  	_ = 	snop  }
0x3c: {  	p2 =	seq.s32 s10, $0x1;
	s10 =	sld [smem:$0x3FB4]  }
0x3d: {  	_ =	shalt  }
0x3e: {  	_ =	shalt  }
0x3f: {  	_ =	shalt  }
0x40: {  	_ =	shalt  }
0x41: {  	_ =	shalt  }
0x42: {  	_ =	shalt  }
0x43: {  	_ =	shalt  }
0x44: {  	_ =	shalt  }
0x45: {  	_ =	shalt  }
0x46: {  	_ =	shalt  }
0x47: {  	_ =	shalt  }
0x48: {  	_ =	shalt  }
0x49: {  	_ =	shalt  }
0x4a: {  	_ =	shalt  }
0x4b: {  	_ =	shalt  }
0x4c: {  	_ =	shalt  }
0x4d: {  	_ =	shalt  }
0x4e: {  	_ =	shalt  }
0x4f: {  	_ =	shalt  }
0x50: {  	_ =	shalt  }
0x51: {  	_ =	shalt  }
0x52: {  	_ =	shalt  }
0x53: {  	_ =	shalt  }
0x54: {  	_ =	shalt  }
0x55: {  	_ =	shalt  }
0x56: {  	_ =	shalt  }
0x57: {  	_ =	shalt  }
0x58: {  	_ =	shalt  }
0x59: {  	_ =	shalt  }
0x5a: {  	_ =	shalt  }
0x5b: {  	_ =	shalt  }
0x5c: {  	_ =	shalt  }
0x5d: {  	_ =	shalt  }
0x5e: {  	_ =	shalt  }
0x5f: {  	_ =	shalt  }
0x60: {  	_ =	shalt  }
0x61: {  	_ =	shalt  }
0x62: {  	_ =	shalt  }
0x63: {  	_ =	shalt  }
0x64: {  	_ =	shalt  }
0x65: {  	_ =	shalt  }
0x66: {  	_ =	shalt  }
0x67: {  	_ =	shalt  }
0x68: {  	_ =	shalt  }
0x69: {  	_ =	shalt  }
0x6a: {  	_ =	shalt  }
0x6b: {  	_ =	shalt  }
0x6c: {  	_ =	shalt  }
0x6d: {  	_ =	shalt  }
0x6e: {  	_ =	shalt  }
0x6f: {  	_ =	shalt  }
0x70: {  	_ =	shalt  }
0x71: {  	_ =	shalt  }
0x72: {  	_ =	shalt  }
0x73: {  	_ =	shalt  }
0x74: {  	_ =	shalt  }
0x75: {  	_ =	shalt  }
0x76: {  	_ =	shalt  }
0x77: {  	_ =	shalt  }
0x78: {  	_ =	shalt  }
0x79: {  	_ =	shalt  }
0x7a: {  	_ =	shalt  }
0x7b: {  	_ =	shalt  }
0x7c: {  	_ =	shalt  }
0x7d: {  	_ =	shalt  }
0x7e: {  	_ =	shalt  }
0x7f: {  	_ =	shalt  }
0x80: {  	_ =	shalt  }
0x81: {  	_ =	shalt  }
0x82: {  	_ =	shalt  }
0x83: {  	_ =	shalt  }
0x84: {  	_ =	shalt  }
0x85: {  	_ =	shalt  }
0x86: {  	_ =	shalt  }
0x87: {  	_ =	shalt  }
.Lfunc_end0:
.L_simem_size_0:
called_computation.1_lowered:
.L_overlay_start_0:
0x88: {  	s2 =	sld [smem:$0x3FD9]  }
0x89: {  	s3 =	sld [smem:$0x3FFE];
	_ =	sdelay $0x1  }
0x8a: {  	s1 =	srdreg.scid  }
0x8b: {  	s0 =	sand.u32 $0x1, s1  }
0x8c: {  	s17 =	sshll.u32 s0, $0xA;
	s2 =	sadd.s32 s3, s2  }
0x8d: {  	s2 =	sadd.s32 s2, s17  }
0x8e: {  	[smem:$0x3FC0] =	sst s2  }
0x8f: {  	_ = 	snop  }
0x90: {  	s18 =	sld [smem:$0x3FD0];
	(tm) =	ssettm $0x1  }
0x91: {  	s19 =	sld [smem:$0x3FFB];
	_ =	sdelay $0x3  }
0x92: {  	_ =	strace s19  }
0x93: {  	s2 =	sld [smem:$0x3FFC];
	_ =	sdelay $0x3  }
0x94: {  	_ =	strace s2  }
0x95: {  	s2 =	sld [smem:$0x3FFD];
	_ =	sdelay $0x3  }
0x96: {  	_ =	strace s2  }
0x97: {  	_ =	strace $0x8FFFFFFF  }
0x98: {  	s20 =	sld [smem:$0x3FDB];
	_ =	sdelay $0x1  }
0x99: {  	s4 =	simm.s32 $_scs_section_size  }
0x9a: {  	s5 =	simm.s32 $_size__tile_overlayer_lowered;
	s6 =	simm.s32 $_tile_overlayer_lowered  }
0x9b: {  	s7 =	simm.s32 $0x1BFF;
	s21 =	sshll.u32 s6, $0x1;
	s4 =	sadd.s32 s4, s20  }
0x9c: {  	s22 =	simm.s32 $0x0;
	s5 =	sshll.u32 s5, $0x1;
	s6 =	sadd.s32 s21, s4  }
0x9d: {  	[timem:s22], [sflag:s7] =	dma.local [hbm:s6], s5  }
0x9e: {  	_ =	swait.ge [sflag:s7], s5  }
0x9f: {  	s5 =	ssub.s32 $0x0, s5;
	[sflag:s7] =	ssyncset.done $0x0  }
0xa0: {  	[sflag:s7] =	ssyncadd.s32 s5;
	_ =	sdelay $0x1  }
0xa1: {  	s23 =	simm.s32 $0x1B8B  }
0xa2: {  	_ =	swait.ge [sflag:s23], $0x1  }
0xa3: {  	[sflag:s23] =	ssyncset.done $0x0  }
0xa4: {  	[sflag:s23] =	ssyncadd.s32 $0xFFFFFFFF  }
0xa5: {  	s5 =	sld [smem:$0x0]  }
0xa6: {  	s6 =	sand.u32 $0xFFFFFFFE, s1  }
0xa7: {  	p0 =	sne.s32 s1, s6  }
0xa8: {  	s6 =	sshll.u32 @p0 s6, $0xE  }
0xa9: {  	s6 =	sadd.s32 @p0 $0x11B8D, s6;
	s7 =	sshll.u32 @p0 s5, $0x11  }
0xaa: {  	s6 =	sor.u32 @p0 s7, s6  }
0xab: {  	[sflag:s6] =	ssyncadd.remote.s32 @p0 $0x1;
	_ =	sdelay $0x1  }
0xac: {  	s6 =	simm.s32 @p0 $0x1B8D  }
0xad: {  	_ =	swait.eq @p0 [sflag:s6], $0x1  }
0xae: {  	[sflag:s6] =	ssyncadd.s32 @p0 $0xFFFFFFFF  }
0xaf: {  	s7 =	sshll.u32 @!p0 s1, $0xE  }
0xb0: {  	s7 =	sor.u32 @!p0 $0x4000, s7;
	s6 =	simm.s32 @!p0 $0x1B8D  }
0xb1: {  	s5 =	sshll.u32 @!p0 s5, $0x11;
	s7 =	sadd.s32 @!p0 $0x11B8D, s7;
	_ =	swait.eq @!p0 [sflag:s6], $0x1  }
0xb2: {  	s5 =	sor.u32 @!p0 s5, s7;
	[sflag:s6] =	ssyncadd.s32 @!p0 $0xFFFFFFFF  }
0xb3: {  	s25 =	simm.s32 $0x1B8E;
	s24 =	sld [smem:$0x3FFE];
	[sflag:s5] =	ssyncadd.remote.s32 @!p0 $0x1  }
0xb4: {  	s26 =	simm.s32 $execute0_lowered;
	[smem:$0x3FD2] =	sst s25  }
0xb5: {  	s6 =	sshll.u32 s26, $0x1;
	_ =	strace $0x80000049;
	[dreg:$0x1] =	wrdreg $0xFFFFFFFF  }
0xb6: {  	s28 =	simm.s32 $_size_execute0_lowered;
	s4 =	sadd.s32 s4, s6;
	[dreg:$0x0] =	wrdreg $0x0  }
0xb7: {  	s6 =	sshll.u32 s28, $0x1;
	[dreg:$0x2] =	wrdreg s4  }
0xb8: {  	[dreg:$0x3] =	wrdreg s6  }
0xb9: {  	[dreg:$0x4] =	wrdreg $0xC0  }
0xba: {  	_ =	task [dreg:s22], $0x5FFFF  }
0xbb: {  	[dreg:$0x1] =	wrdreg $0xFFFFFFFF  }
0xbc: {  	[dreg:$0x0] =	wrdreg $0x60  }
0xbd: {  	[dreg:$0x2] =	wrdreg s24  }
0xbe: {  	[dreg:$0x3] =	wrdreg s18  }
0xbf: {  	[dreg:$0x4] =	wrdreg $0x1D4000  }
0xc0: {  	[dreg:$0x5] =	wrdreg $0x1E6D80  }
0xc1: {  	[dreg:$0x6] =	wrdreg $0xA  }
0xc2: {  	_ =	task.clear_ibuf [dreg:s22], $0x7FFFF;
	_ =	strace $0x90000049  }
0xc3: {  	s29 =	simm.s32 $0xA;
	_ =	strace $0x8000004B  }
0xc4: {  	_ =	swait.ge [sflag:s29], $0x1  }
0xc5: {  	[sflag:s29] =	ssyncadd.s32 $0xFFFFFFFF  }
0xc6: {  	_ =	strace $0x9000004B  }
0xc7: {  	_ =	sfence  }
0xc8: {  	s30 =	sld [smem:$0x0];
	_ =	sdelay $0x2  }
0xc9: {  	s31 =	sshll.u32 s1, $0xD;
	s1 =	sshrl.u32 s1, $0x2  }
0xca: {  	s4 =	sand.u32 $0x4000, s31;
	s1 =	sadd.s32 s1, s30  }
0xcb: {  	s0 =	sor.u32 s4, s0;
	s1 =	sshll.u32 s1, $0x11  }
0xcc: {  	s0 =	sor.u32 s1, s0  }
0xcd: {  	s0 =	sadd.s32 $0x8F2B, s0  }
0xce: {  	[sflag:s0] =	ssyncadd.remote.s32 $0x1  }
0xcf: {  	_ =	sfence.sel $0xFFFF  }
0xd0: {  	[dreg:$0x0] =	wrdreg $0xFFFFFFFF;
	(pc) =	sbr.abs _section_cstart, $3  }
0xd1: {  	[dreg:$0x1] =	wrdreg $0xFFFFFFFF  }
0xd2: {  	_ =	task.clear_ibuf [dreg:s22], $0x2FFFF;
	_ =	strace $0x9FFFFFFF  }
0xd3: {  	(tm) =	ssettm $0x7FFFFFFF  }
tec
execute0_lowered:
.L_overlay_start_1:
0x0: {  	(tag) =	ssettag $0x1  }
0x1: {  	s0 =	rddreg [dreg:$0x0]  }
0x2: {  	s1 =	rddreg [dreg:$0x1]  }
0x3: {  	s2 =	srdreg.scid;
	[dreg:$0x5] =	wrdreg s1  }
0x4: {  	s5 =	stileid.u32;
	s1 =	rddreg [dreg:$0x2];
	s4 =	sand.u32 $0x1, s2  }
0x5: {  	s3 =	sshll.u32 s5, $0x1;
	s2 =	rddreg [dreg:$0x3];
	s9 =	sadd.s32 $0x8C00, s0  }
0x6: {  	p0 =	sne.s32 s5, $0x0;
	s6 =	sor.u32 s4, s3;
	s3 =	simm.s32 $0x0  }
0x7: {  	s5 =	sshrl.u32 @!p0 s1, $0x3;
	s7 =	smul.u32 $0x1A00, s6;
	[smem:$0x7FF] =	sst s3  }
0x8: {  	s6 =	smul.u32 $0x3400, s6;
	_ =	strace $0x8000004A;
	[dreg:$0x6] =	wrdreg s9  }
0x9: {  	s14 =	sadd.s32 $0x80200, s0;
	[dreg:$0x10] =	wrdreg s5  }
0xa: {  	s8 =	sshrl.u32 s7, $0x3;
	s6 =	sadd.s32 s14, s6;
	s15 =	sadd.s32 $0x680, s7  }
0xb: {  	s21 =	sadd.s32 $0xD00, s7;
	s7 =	sadd.s32 $0x1380, s7;
	s10 =	sadd.s32 s8, s0  }
0xc: {  	s0 =	sadd.s32 $0xE8200, s0;
	[dreg:$0x8] =	wrdreg s6;
	s24 =	sshll.u32 s7, $0x1  }
0xd: {  	s26 =	sshrl.u32 s7, $0x3;
	s7 =	rddreg [dreg:$0x6];
	s10 =	sadd.s32 $0x79A00, s10  }
0xe: {  	s17 =	sshll.u32 s15, $0x1;
	s16 =	sadd.s32 s0, s8;
	[dreg:$0x7] =	wrdreg s10  }
0xf: {  	s19 =	sshrl.u32 s15, $0x3;
	s18 =	sadd.s32 s14, s17;
	[dreg:$0x9] =	wrdreg s16  }
0x10: {  	s22 =	sshll.u32 s21, $0x1;
	s20 =	sadd.s32 s0, s19;
	[dreg:$0xa] =	wrdreg s18  }
0x11: {  	s6 =	sadd.s32 s14, s22;
	[dreg:$0xb] =	wrdreg s20  }
0x12: {  	s25 =	sadd.s32 s14, s24;
	[dreg:$0xc] =	wrdreg s6  }
0x13: {  	s8 =	sshrl.u32 s21, $0x3;
	[dreg:$0xe] =	wrdreg s25  }
0x14: {  	s23 =	sadd.s32 s0, s8;
	s6 =	rddreg [dreg:$0x10]  }
0x15: {  	s0 =	sadd.s32 s0, s26;
	[dreg:$0xd] =	wrdreg s23  }
0x16: {  	[dreg:$0xf] =	wrdreg s0;
	s0 =	sshrl.u32 @!p0 s2, $0x3  }
0x17: {  	s5 =	simm.s32 @!p0 $0x11;
	s8 =	simm.s32 @!p0 $0x1C11;
	[dreg:$0x11] =	wrdreg s0  }
0x18: {  	[spmem:s6], [sflag:s8] =	dma.local @!p0 [hbm:s7], $0x25B0  }
0x19: {  	_ =	swait.ge @!p0 [sflag:s5], $0x25B0  }
0x1a: {  	s0 =	rddreg [dreg:$0x5];
	[sflag:s5] =	ssyncset.done @!p0 $0x0  }
0x1b: {  	s6 =	rddreg [dreg:$0x11];
	[sflag:s5] =	ssyncadd.s32 @!p0 $0xFFFFDA50  }
0x1c: {  	[spmem:s6], [sflag:s8] =	dma.local @!p0 [hbm:s0], $0x25B  }
0x1d: {  	_ =	swait.ge @!p0 [sflag:s5], $0x25B  }
0x1e: {  	[sflag:s5] =	ssyncset.done @!p0 $0x0  }
0x1f: {  	s8 =	simm.s32 $0x11;
	s7 =	rddreg [dreg:$0x7];
	[sflag:s5] =	ssyncadd.s32 @!p0 $0xFFFFFDA5  }
0x20: {  	[tilespmem:s3], [sflag:$0x11] =	stream.linear.gather [hbm4b:s7+s3], $0x1A00, $0x38;
	[tilespmem:$0x1E808] =	vst v63  }
0x21: {  	_ =	swait.ge [sflag:s8], $0x1A00  }
0x22: {  	[sflag:s8] =	ssyncset.done $0x0  }
0x23: {  	[sflag:s8] =	ssyncadd.s32 $0xFFFFE600  }
0x24: {  	s9 =	simm.s32 $0x1A00;
	s7 =	simm.s32 $0x680;
	[bflag:$0x0] =	sbarrier.arrive $0xFFFF  }
0x25: {  	[tilespmem:s9], [sflag:$0x1] =	stream.indirect.gather [spmem:s1], $0x10, s3, s7, $0xb8;
	[tilespmem:$0x1E808] =	vst v63  }
0x26: {  	s10 =	simm.s32 $0x8200  }
0x27: {  	[tilespmem:s10], [sflag:$0x2] =	stream.indirect.gather [spmem:s1], $0x10, s7, s7, $0xb8;
	[tilespmem:$0x1E808] =	vst v63  }
0x28: {  	s17 =	simm.s32 $0xD00;
	s18 =	simm.s32 $0xEA00  }
0x29: {  	[tilespmem:s18], [sflag:$0x3] =	stream.indirect.gather [spmem:s1], $0x10, s17, s7, $0xb8;
	[tilespmem:$0x1E808] =	vst v63  }
0x2a: {  	s11 =	simm.s32 $0x1380;
	s12 =	simm.s32 $0x15200  }
0x2b: {  	[tilespmem:s12], [sflag:$0x4] =	stream.indirect.gather [spmem:s1], $0x10, s11, s7, $0xb8;
	[tilespmem:$0x1E808] =	vst v63  }
0x2c: {  	s13 =	simm.s32 $0x1BA00  }
0x2d: {  	[tilespmem:s13], [sflag:$0x5] =	stream.indirect.gather [spmem:s2], $0x1, s3, s7, $0xb8;
	[tilespmem:$0x1E808] =	vst v63  }
0x2e: {  	s14 =	simm.s32 $0x1C080  }
0x2f: {  	[tilespmem:s14], [sflag:$0x6] =	stream.indirect.gather [spmem:s2], $0x1, s7, s7, $0xb8;
	[tilespmem:$0x1E808] =	vst v63  }
0x30: {  	s24 =	simm.s32 $0x1C700  }
0x31: {  	[tilespmem:s24], [sflag:$0x7] =	stream.indirect.gather [spmem:s2], $0x1, s17, s7, $0xb8;
	[tilespmem:$0x1E808] =	vst v63  }
0x32: {  	s15 =	simm.s32 $0x1CD80;
	s16 =	simm.s32 $0x1  }
0x33: {  	[tilespmem:s15], [sflag:$0x8] =	stream.indirect.gather [spmem:s2], $0x1, s11, s7, $0xb8;
	[tilespmem:$0x1E808] =	vst v63  }
0x34: {  	_ =	swait.ge [sflag:s16], $0x6800  }
0x35: {  	[sflag:s16] =	ssyncset.done $0x0  }
0x36: {  	s19 =	simm.s32 $0x5;
	s25 =	rddreg [dreg:$0x8];
	[sflag:s16] =	ssyncadd.s32 $0xFFFF9800  }
0x37: {  	[hbm4b:s25+s3] =	stream.linear.scatter [tilespmem:s9], [sflag:$0x9], $0x6800, $0x38;
	[tilespmem:$0x1E808] =	vst v63  }
0x38: {  	_ =	swait.ge [sflag:s19], $0x680  }
0x39: {  	[sflag:s19] =	ssyncset.done $0x0  }
0x3a: {  	s20 =	simm.s32 $0x2;
	s26 =	rddreg [dreg:$0x9];
	[sflag:s19] =	ssyncadd.s32 $0xFFFFF980  }
0x3b: {  	[hbm4b:s26+s3] =	stream.linear.scatter [tilespmem:s13], [sflag:$0xD], $0x680, $0x38;
	[tilespmem:$0x1E808] =	vst v63  }
0x3c: {  	_ =	swait.ge [sflag:s20], $0x6800  }
0x3d: {  	[sflag:s20] =	ssyncset.done $0x0  }
0x3e: {  	s21 =	simm.s32 $0x6;
	s8 =	rddreg [dreg:$0xa];
	[sflag:s20] =	ssyncadd.s32 $0xFFFF9800  }
0x3f: {  	[hbm4b:s8+s3] =	stream.linear.scatter [tilespmem:s10], [sflag:$0xA], $0x6800, $0x38;
	[tilespmem:$0x1E808] =	vst v63  }
0x40: {  	_ =	swait.ge [sflag:s21], $0x680  }
0x41: {  	[sflag:s21] =	ssyncset.done $0x0  }
0x42: {  	s22 =	simm.s32 $0x3;
	s11 =	rddreg [dreg:$0xb];
	[sflag:s21] =	ssyncadd.s32 $0xFFFFF980  }
0x43: {  	[hbm4b:s11+s3] =	stream.linear.scatter [tilespmem:s14], [sflag:$0xE], $0x680, $0x38;
	[tilespmem:$0x1E808] =	vst v63  }
0x44: {  	_ =	swait.ge [sflag:s22], $0x6800  }
0x45: {  	[sflag:s22] =	ssyncset.done $0x0  }
0x46: {  	s23 =	simm.s32 $0x7;
	s13 =	rddreg [dreg:$0xc];
	[sflag:s22] =	ssyncadd.s32 $0xFFFF9800  }
0x47: {  	[hbm4b:s13+s3] =	stream.linear.scatter [tilespmem:s18], [sflag:$0xB], $0x6800, $0x38;
	[tilespmem:$0x1E808] =	vst v63  }
0x48: {  	_ =	swait.ge [sflag:s23], $0x680  }
0x49: {  	[sflag:s23] =	ssyncset.done $0x0  }
0x4a: {  	s14 =	rddreg [dreg:$0xd];
	[sflag:s23] =	ssyncadd.s32 $0xFFFFF980  }
0x4b: {  	[hbm4b:s14+s3] =	stream.linear.scatter [tilespmem:s24], [sflag:$0xF], $0x680, $0x38;
	[tilespmem:$0x1E808] =	vst v63  }
0x4c: {  	s24 =	simm.s32 $0x4  }
0x4d: {  	_ =	swait.ge [sflag:s24], $0x6800  }
0x4e: {  	[sflag:s24] =	ssyncset.done $0x0  }
0x4f: {  	s25 =	simm.s32 $0x8;
	s16 =	rddreg [dreg:$0xe];
	[sflag:s24] =	ssyncadd.s32 $0xFFFF9800  }
0x50: {  	[hbm4b:s16+s3] =	stream.linear.scatter [tilespmem:s12], [sflag:$0xC], $0x6800, $0x38;
	[tilespmem:$0x1E808] =	vst v63  }
0x51: {  	_ =	swait.ge [sflag:s25], $0x680  }
0x52: {  	[sflag:s25] =	ssyncset.done $0x0  }
0x53: {  	s26 =	simm.s32 $0x9;
	s17 =	rddreg [dreg:$0xf];
	[sflag:s25] =	ssyncadd.s32 $0xFFFFF980  }
0x54: {  	[hbm4b:s17+s3] =	stream.linear.scatter [tilespmem:s15], [sflag:$0x10], $0x680, $0x38;
	[tilespmem:$0x1E808] =	vst v63  }
0x55: {  	_ =	swait.ge [sflag:s26], $0x6800  }
0x56: {  	[sflag:s26] =	ssyncset.done $0x0  }
0x57: {  	s28 =	simm.s32 $0xD;
	[sflag:s26] =	ssyncadd.s32 $0xFFFF9800  }
0x58: {  	_ =	swait.ge [sflag:s28], $0x680  }
0x59: {  	[sflag:s28] =	ssyncset.done $0x0  }
0x5a: {  	s29 =	simm.s32 $0xA;
	[sflag:s28] =	ssyncadd.s32 $0xFFFFF980  }
0x5b: {  	_ =	swait.ge [sflag:s29], $0x6800  }
0x5c: {  	[sflag:s29] =	ssyncset.done $0x0  }
0x5d: {  	s30 =	simm.s32 $0xE;
	[sflag:s29] =	ssyncadd.s32 $0xFFFF9800  }
0x5e: {  	_ =	swait.ge [sflag:s30], $0x680  }
0x5f: {  	[sflag:s30] =	ssyncset.done $0x0  }
0x60: {  	s31 =	simm.s32 $0xB;
	s4 =	ssub.s32 $0x2, s4;
	[sflag:s30] =	ssyncadd.s32 $0xFFFFF980  }
0x61: {  	s18 =	sshrl.u32 s4, $0x1;
	_ =	swait.ge [sflag:s31], $0x6800  }
0x62: {  	s8 =	ssub.s32 s4, s18;
	[sflag:s31] =	ssyncset.done $0x0  }
0x63: {  	s0 =	simm.s32 $0xF;
	s8 =	smax.u32 s8, $0x1;
	[sflag:s31] =	ssyncadd.s32 $0xFFFF9800  }
0x64: {  	s8 =	sadd.s32 $0xFFFFFFFF, s8;
	_ =	swait.ge [sflag:s0], $0x680  }
0x65: {  	p1 =	sne.s32 s8, $0x0;
	[sflag:s0] =	ssyncset.done $0x0  }
.Ltmp0:
0x66: {  	s4 =	simm.s32 $0xC;
	[sflag:s0] =	ssyncadd.s32 $0xFFFFF980;
	(pc) =	sbr.rel @!p1 .LBB2_3-.Ltmp0, $4  }
0x67: {  	_ =	swait.ge [sflag:s4], $0x6800  }
0x68: {  	[sflag:s4] =	ssyncset.done $0x0  }
0x69: {  	s9 =	simm.s32 $0x10;
	[sflag:s4] =	ssyncadd.s32 $0xFFFF9800  }
0x6a: {  	_ =	swait.ge [sflag:s9], $0x680  }
0x6b: {  	s13 =	simm.s32 $0xEA00;
	s15 =	simm.s32 $0x15200  }
0x6c: {  	s16 =	simm.s32 $0x1BA00;
	s17 =	simm.s32 $0x1C080;
	s18 =	simm.s32 $0x1CD80  }
.LBB2_2:
0x6d: {  	s10 =	rddreg [dreg:$0x10];
	[sflag:s9] =	ssyncset.done $0x0  }
0x6e: {  	s11 =	rddreg [dreg:$0x6];
	s12 =	simm.s32 @!p0 $0x1C11;
	[sflag:s9] =	ssyncadd.s32 $0xFFFFF980  }
0x6f: {  	[spmem:s10], [sflag:s12] =	dma.local @!p0 [hbm:s11], $0x25B0  }
0x70: {  	_ =	swait.ge @!p0 [sflag:s5], $0x25B0  }
0x71: {  	[sflag:s5] =	ssyncset.done @!p0 $0x0;
	s10 =	rddreg [dreg:$0x5]  }
0x72: {  	s11 =	rddreg [dreg:$0x11];
	[sflag:s5] =	ssyncadd.s32 @!p0 $0xFFFFDA50  }
0x73: {  	[spmem:s11], [sflag:s12] =	dma.local @!p0 [hbm:s10], $0x25B  }
0x74: {  	_ =	swait.ge @!p0 [sflag:s5], $0x25B  }
0x75: {  	[sflag:s5] =	ssyncset.done @!p0 $0x0  }
0x76: {  	s6 =	simm.s32 $0x11;
	s12 =	rddreg [dreg:$0x7];
	[sflag:s5] =	ssyncadd.s32 @!p0 $0xFFFFFDA5  }
0x77: {  	[tilespmem:s3], [sflag:$0x11] =	stream.linear.gather [hbm4b:s12+s3], $0x1A00, $0x38;
	[tilespmem:$0x1E808] =	vst v63  }
0x78: {  	_ =	swait.ge [sflag:s6], $0x1A00  }
0x79: {  	[sflag:s6] =	ssyncset.done $0x0  }
0x7a: {  	[sflag:s6] =	ssyncadd.s32 $0xFFFFE600  }
0x7b: {  	s11 =	simm.s32 $0x1A00;
	[bflag:$0x0] =	sbarrier.arrive $0xFFFF  }
0x7c: {  	[tilespmem:s11], [sflag:$0x1] =	stream.indirect.gather [spmem:s1], $0x10, s3, s7, $0xb8;
	[tilespmem:$0x1E808] =	vst v63  }
0x7d: {  	s12 =	simm.s32 $0x8200  }
0x7e: {  	[tilespmem:s12], [sflag:$0x2] =	stream.indirect.gather [spmem:s1], $0x10, s7, s7, $0xb8;
	[tilespmem:$0x1E808] =	vst v63  }
0x7f: {  	s10 =	simm.s32 $0xD00  }
0x80: {  	[tilespmem:s13], [sflag:$0x3] =	stream.indirect.gather [spmem:s1], $0x10, s10, s7, $0xb8;
	[tilespmem:$0x1E808] =	vst v63  }
0x81: {  	s14 =	simm.s32 $0x1380  }
0x82: {  	[tilespmem:s15], [sflag:$0x4] =	stream.indirect.gather [spmem:s1], $0x10, s14, s7, $0xb8;
	[tilespmem:$0x1E808] =	vst v63  }
0x83: {  	_ = 	snop  }
0x84: {  	[tilespmem:s16], [sflag:$0x5] =	stream.indirect.gather [spmem:s2], $0x1, s3, s7, $0xb8;
	[tilespmem:$0x1E808] =	vst v63  }
0x85: {  	_ = 	snop  }
0x86: {  	[tilespmem:s17], [sflag:$0x6] =	stream.indirect.gather [spmem:s2], $0x1, s7, s7, $0xb8;
	[tilespmem:$0x1E808] =	vst v63  }
0x87: {  	s6 =	simm.s32 $0x1C700  }
0x88: {  	[tilespmem:s6], [sflag:$0x7] =	stream.indirect.gather [spmem:s2], $0x1, s10, s7, $0xb8;
	[tilespmem:$0x1E808] =	vst v63  }
0x89: {  	_ = 	snop  }
0x8a: {  	[tilespmem:s18], [sflag:$0x8] =	stream.indirect.gather [spmem:s2], $0x1, s14, s7, $0xb8;
	[tilespmem:$0x1E808] =	vst v63  }
0x8b: {  	s14 =	simm.s32 $0x1  }
0x8c: {  	_ =	swait.ge [sflag:s14], $0x6800  }
0x8d: {  	[sflag:s14] =	ssyncset.done $0x0  }
0x8e: {  	s10 =	rddreg [dreg:$0x8];
	[sflag:s14] =	ssyncadd.s32 $0xFFFF9800  }
0x8f: {  	[hbm4b:s10+s3] =	stream.linear.scatter [tilespmem:s11], [sflag:$0x9], $0x6800, $0x38;
	[tilespmem:$0x1E808] =	vst v63  }
0x90: {  	_ =	swait.ge [sflag:s19], $0x680  }
0x91: {  	[sflag:s19] =	ssyncset.done $0x0  }
0x92: {  	s14 =	rddreg [dreg:$0x9];
	[sflag:s19] =	ssyncadd.s32 $0xFFFFF980  }
0x93: {  	[hbm4b:s14+s3] =	stream.linear.scatter [tilespmem:s16], [sflag:$0xD], $0x680, $0x38;
	[tilespmem:$0x1E808] =	vst v63  }
0x94: {  	_ =	swait.ge [sflag:s20], $0x6800  }
0x95: {  	[sflag:s20] =	ssyncset.done $0x0  }
0x96: {  	s11 =	rddreg [dreg:$0xa];
	[sflag:s20] =	ssyncadd.s32 $0xFFFF9800  }
0x97: {  	[hbm4b:s11+s3] =	stream.linear.scatter [tilespmem:s12], [sflag:$0xA], $0x6800, $0x38;
	[tilespmem:$0x1E808] =	vst v63  }
0x98: {  	_ =	swait.ge [sflag:s21], $0x680  }
0x99: {  	[sflag:s21] =	ssyncset.done $0x0  }
0x9a: {  	s12 =	rddreg [dreg:$0xb];
	[sflag:s21] =	ssyncadd.s32 $0xFFFFF980  }
0x9b: {  	[hbm4b:s12+s3] =	stream.linear.scatter [tilespmem:s17], [sflag:$0xE], $0x680, $0x38;
	[tilespmem:$0x1E808] =	vst v63  }
0x9c: {  	_ =	swait.ge [sflag:s22], $0x6800  }
0x9d: {  	[sflag:s22] =	ssyncset.done $0x0  }
0x9e: {  	s14 =	rddreg [dreg:$0xc];
	[sflag:s22] =	ssyncadd.s32 $0xFFFF9800  }
0x9f: {  	[hbm4b:s14+s3] =	stream.linear.scatter [tilespmem:s13], [sflag:$0xB], $0x6800, $0x38;
	[tilespmem:$0x1E808] =	vst v63  }
0xa0: {  	_ =	swait.ge [sflag:s23], $0x680  }
0xa1: {  	[sflag:s23] =	ssyncset.done $0x0  }
0xa2: {  	s11 =	rddreg [dreg:$0xd];
	[sflag:s23] =	ssyncadd.s32 $0xFFFFF980  }
0xa3: {  	[hbm4b:s11+s3] =	stream.linear.scatter [tilespmem:s6], [sflag:$0xF], $0x680, $0x38;
	[tilespmem:$0x1E808] =	vst v63  }
0xa4: {  	_ =	swait.ge [sflag:s24], $0x6800  }
0xa5: {  	[sflag:s24] =	ssyncset.done $0x0  }
0xa6: {  	s12 =	rddreg [dreg:$0xe];
	[sflag:s24] =	ssyncadd.s32 $0xFFFF9800  }
0xa7: {  	[hbm4b:s12+s3] =	stream.linear.scatter [tilespmem:s15], [sflag:$0xC], $0x6800, $0x38;
	[tilespmem:$0x1E808] =	vst v63  }
0xa8: {  	_ =	swait.ge [sflag:s25], $0x680  }
0xa9: {  	[sflag:s25] =	ssyncset.done $0x0  }
0xaa: {  	s14 =	rddreg [dreg:$0xf];
	[sflag:s25] =	ssyncadd.s32 $0xFFFFF980  }
0xab: {  	[hbm4b:s14+s3] =	stream.linear.scatter [tilespmem:s18], [sflag:$0x10], $0x680, $0x38;
	[tilespmem:$0x1E808] =	vst v63  }
0xac: {  	_ =	swait.ge [sflag:s26], $0x6800  }
0xad: {  	[sflag:s26] =	ssyncset.done $0x0  }
0xae: {  	[sflag:s26] =	ssyncadd.s32 $0xFFFF9800  }
0xaf: {  	_ =	swait.ge [sflag:s28], $0x680  }
0xb0: {  	[sflag:s28] =	ssyncset.done $0x0  }
0xb1: {  	[sflag:s28] =	ssyncadd.s32 $0xFFFFF980  }
0xb2: {  	_ =	swait.ge [sflag:s29], $0x6800  }
0xb3: {  	[sflag:s29] =	ssyncset.done $0x0  }
0xb4: {  	[sflag:s29] =	ssyncadd.s32 $0xFFFF9800  }
0xb5: {  	_ =	swait.ge [sflag:s30], $0x680  }
0xb6: {  	[sflag:s30] =	ssyncset.done $0x0  }
0xb7: {  	[sflag:s30] =	ssyncadd.s32 $0xFFFFF980  }
0xb8: {  	_ =	swait.ge [sflag:s31], $0x6800  }
0xb9: {  	[sflag:s31] =	ssyncset.done $0x0  }
0xba: {  	[sflag:s31] =	ssyncadd.s32 $0xFFFF9800  }
0xbb: {  	s8 =	sadd.s32 $0xFFFFFFFF, s8;
	_ =	swait.ge [sflag:s0], $0x680  }
0xbc: {  	p1 =	sne.s32 s8, $0x0;
	[sflag:s0] =	ssyncset.done $0x0  }
.Ltmp1:
0xbd: {  	[sflag:s0] =	ssyncadd.s32 $0xFFFFF980;
	(pc) =	sbr.rel @p1 .LBB2_2-.Ltmp1, $4  }
0xbe: {  	_ =	swait.ge [sflag:s4], $0x6800  }
0xbf: {  	[sflag:s4] =	ssyncset.done $0x0  }
0xc0: {  	[sflag:s4] =	ssyncadd.s32 $0xFFFF9800  }
0xc1: {  	_ =	swait.ge [sflag:s9], $0x680  }
.LBB2_3:
0xc2: {  	[sflag:s9] =	ssyncset.done $0x0  }
0xc3: {  	[sflag:s9] =	ssyncadd.s32 $0xFFFFF980  }
0xc4: {  	_ =	sfence.sel $0x180000  }
0xc5: {  	[bflag:$0x0] =	sbarrier.arrive $0xFFFF  }
0xc6: {  	_ =	strace $0x9000004A  }
0xc7: {  	[bflag:$0x2] =	sbarrier.arrive $0xFFFF  }
0xc8: {  	s0 =	rddreg [dreg:$0x4]  }
0xc9: {  	s0 =	sadd.s32 @!p0 $0x100000, s0  }
0xca: {  	[sflag:s0] =	ssyncadd.tile.s32 @!p0 $0x1;
	_ =	shalt  }
.Lfunc_end2:
_tile_overlayer_lowered:
.L_overlay_start_2:
0xcb: {  	(tag) =	ssettag $0x2  }
0xcc: {  	s0 =	rddreg [dreg:$0x0];
	s2 =	stileid.u32  }
0xcd: {  	s1 =	rddreg [dreg:$0x1];
	p0 =	sne.s32 s2, $0x0  }
0xce: {  	s3 =	rddreg [dreg:$0x2];
	[bflag:$0x3] =	sbarrier.arrive $0xFFFF;
	s2 =	simm.s32 @!p0 $0x1C11  }
0xcf: {  	[timem:s3], [sflag:s2] =	dma.local @!p0 [hbm:s0], s1  }
0xd0: {  	s0 =	simm.s32 @!p0 $0x11  }
0xd1: {  	_ =	swait.ge @!p0 [sflag:s0], s1  }
0xd2: {  	s1 =	ssub.s32 @!p0 $0x0, s1;
	[sflag:s0] =	ssyncset.done @!p0 $0x0  }
0xd3: {  	[sflag:s0] =	ssyncadd.s32 @!p0 s1  }
0xd4: {  	[bflag:$0x3] =	sbarrier.arrive $0xFFFF  }
0xd5: {  	_ =	shalt  }

</sc_bundles>
